<compile_context>
chip_gen: v7x
topology: tpu7x:2x2x1
jax: 0.10.2.dev20260603
libtpu: 0.0.44.dev20260713+nightly
codegen_flags: <defaults>
</compile_context>

<pallas_src>
import functools

import jax
import jax.numpy as jnp
from jax import lax
from jax.experimental import pallas as pl
from jax.experimental.pallas import tpu as pltpu
from jax.experimental.pallas import tpu_sc as plsc

D = 256
N0, N1, N2 = 5, 6, 2
ROWS = N0 * N1 * N2
SP = 64
NC, NS = 2, 16
NW = NC * NS
L = 16
DRAIN = 40


@jax.jit
def _bond_encode_sc(ea0, ea1, ea2, w0, w1, w2):
    E = ea0.shape[0]
    assert E % NW == 0
    epw = E // NW
    ngrp = epw // L
    tail = epw - ngrp * L
    epad = (ngrp + (1 if tail else 0)) * L
    assert epw % 8 == 0 and epw % DRAIN == 0

    mesh = plsc.VectorSubcoreMesh(
        core_axis_name="c", subcore_axis_name="s",
        num_cores=NC, num_subcores=NS)

    @functools.partial(
        pl.kernel,
        mesh=mesh,
        out_type=jax.ShapeDtypeStruct((E, D), jnp.float32),
        scratch_types=[
            pltpu.VMEM((N0, D), jnp.float32),
            pltpu.VMEM((N1, D), jnp.float32),
            pltpu.VMEM((N2, D), jnp.float32),
            pltpu.VMEM((SP, D), jnp.float32),
            pltpu.VMEM((epad,), jnp.int32),
            pltpu.VMEM((epad,), jnp.int32),
            pltpu.VMEM((epad,), jnp.int32),
            pltpu.VMEM((epad,), jnp.int32),
            pltpu.SemaphoreType.DMA,
            pltpu.SemaphoreType.DMA,
        ],
    )
    def k(ea0_h, ea1_h, ea2_h, w0_h, w1_h, w2_h, out_h,
          w0_v, w1_v, w2_v, s_v, i0_v, i1_v, i2_v, cidx_v, sem_in, sem_out):
        cid = lax.axis_index("c")
        sid = lax.axis_index("s")
        wid = cid * NS + sid
        base = wid * epw

        pltpu.async_copy(ea0_h.at[pl.ds(base, epw)], i0_v.at[pl.ds(0, epw)],
                         sem_in)
        pltpu.async_copy(ea1_h.at[pl.ds(base, epw)], i1_v.at[pl.ds(0, epw)],
                         sem_in)
        pltpu.async_copy(ea2_h.at[pl.ds(base, epw)], i2_v.at[pl.ds(0, epw)],
                         sem_in)

        pltpu.sync_copy(w0_h, w0_v)
        pltpu.sync_copy(w1_h, w1_v)
        pltpu.sync_copy(w2_h, w2_v)

        def build_row(c, carry):
            i0 = c // (N1 * N2)
            r = c - i0 * (N1 * N2)
            i1 = r // N2
            i2 = r - i1 * N2
            for j in range(D // L):
                sl = pl.ds(j * L, L)
                s_v[c, sl] = w0_v[i0, sl] + w1_v[i1, sl] + w2_v[i2, sl]
            return carry

        lax.fori_loop(0, ROWS, build_row, None)

        for _ in range(3):
            pltpu.make_async_copy(
                ea0_h.at[pl.ds(0, epw)], i0_v.at[pl.ds(0, epw)], sem_in
            ).wait()

        def cidx_body(g, carry):
            sl = pl.ds(g * L, L)
            c = i0_v[sl] * (N1 * N2) + i1_v[sl] * N2 + i2_v[sl]
            cidx_v[sl] = jnp.minimum(jnp.maximum(c, 0), ROWS - 1)
            return carry

        lax.fori_loop(0, epad // L, cidx_body, None)

        def grp(g, carry):
            cvec = cidx_v[pl.ds(g * L, L)]
            eb = base + g * L
            for l in range(L):
                pltpu.async_copy(s_v.at[cvec[l]], out_h.at[eb + l], sem_out)
            return carry

        lax.fori_loop(0, ngrp, grp, None)
        if tail:
            cvec = cidx_v[pl.ds(ngrp * L, L)]
            eb = base + ngrp * L
            for l in range(tail):
                pltpu.async_copy(s_v.at[cvec[l]], out_h.at[eb + l], sem_out)

        def drain(t, carry):
            pltpu.make_async_copy(s_v.at[pl.ds(0, DRAIN)],
                                  out_h.at[pl.ds(0, DRAIN)], sem_out).wait()
            return carry

        lax.fori_loop(0, epw // DRAIN, drain, None)

    return k(ea0, ea1, ea2, w0, w1, w2)


def kernel(edge_attr, W0, W1, W2):
    ea = edge_attr.astype(jnp.int32)
    return _bond_encode_sc(ea[:, 0], ea[:, 1], ea[:, 2], W0, W1, W2)

# --- scband reference (transcript-rebuilt; emitter-appended) ---
"""Pipeline reference for scband-bond-encoder-24189255811076 (READ-ONLY COPY).

The authoritative reference and input builder live on the scoring server;
editing this copy changes nothing except your own understanding.
"""

import jax, jax.numpy as jnp
import numpy as np

BOND_FEATURE_DIMS = [5, 6, 2]  # ogb.utils.features.get_bond_feature_dims()
EMB_DIM = 256
E = 160000


def _xavier_uniform(key, shape):
    fan_in, fan_out = shape[0], shape[1]
    a = np.sqrt(6.0 / (fan_in + fan_out))
    return jax.random.uniform(key, shape, dtype=jnp.float32, minval=-a, maxval=a)


def setup_inputs(seed: int = 0) -> dict:
    key = jax.random.key(seed)
    k_idx, k0, k1, k2 = jax.random.split(key, 4)
    # fill_max=2 keeps indices in range for all three tables (min dim is 2)
    edge_attr = jax.random.randint(k_idx, (E, 3), 0, 2, dtype=jnp.int64)
    W0 = _xavier_uniform(k0, (BOND_FEATURE_DIMS[0], EMB_DIM))
    W1 = _xavier_uniform(k1, (BOND_FEATURE_DIMS[1], EMB_DIM))
    W2 = _xavier_uniform(k2, (BOND_FEATURE_DIMS[2], EMB_DIM))
    return {"edge_attr": edge_attr, "W0": W0, "W1": W1, "W2": W2}


def reference(edge_attr, W0, W1, W2):
    # bond_embedding = sum_i emb_i(edge_attr[:, i])
    out = jnp.take(W0, edge_attr[:, 0], axis=0)
    out = out + jnp.take(W1, edge_attr[:, 1], axis=0)
    out = out + jnp.take(W2, edge_attr[:, 2], axis=0)
    return out

if __name__ == "__main__":
    import jax
    _d = setup_inputs()
    print(jax.jit(kernel)(*tuple(_d.values())))

</pallas_src>

<mosaic_0001>
#map = affine_map<(d0, d1) -> (0)>
#map1 = affine_map<(d0, d1) -> (0, 0)>
module attributes {stable_mosaic.version = 14 : i64} {
  func.func @k(%arg0: i32, %arg1: i32, %arg2: memref<160000xi32, #tpu.memory_space<hbm>>, %arg3: memref<160000xi32, #tpu.memory_space<hbm>>, %arg4: memref<160000xi32, #tpu.memory_space<hbm>>, %arg5: memref<5x256xf32, #tpu.memory_space<hbm>>, %arg6: memref<6x256xf32, #tpu.memory_space<hbm>>, %arg7: memref<2x256xf32, #tpu.memory_space<hbm>>, %arg8: memref<160000x256xf32, #tpu.memory_space<hbm>>, %arg9: memref<5x256xf32, #tpu.memory_space<vmem>>, %arg10: memref<6x256xf32, #tpu.memory_space<vmem>>, %arg11: memref<2x256xf32, #tpu.memory_space<vmem>>, %arg12: memref<64x256xf32, #tpu.memory_space<vmem>>, %arg13: memref<5008xi32, #tpu.memory_space<vmem>>, %arg14: memref<5008xi32, #tpu.memory_space<vmem>>, %arg15: memref<5008xi32, #tpu.memory_space<vmem>>, %arg16: memref<5008xi32, #tpu.memory_space<vmem>>, %arg17: memref<!tpu.dma_semaphore, #tpu.memory_space<semaphore_mem>>, %arg18: memref<!tpu.dma_semaphore, #tpu.memory_space<semaphore_mem>>) attributes {dimension_semantics = [#tpu.dimension_semantics<core_parallel>, #tpu.dimension_semantics<subcore_parallel>], iteration_bounds = array<i64: 2, 16>, scalar_prefetch = 0 : i64, scratch_operands = 10 : i64, tpu.core_type = #tpu.core_type<sc_vector_subcore>, window_params = [{transform_indices = #map}, {transform_indices = #map}, {transform_indices = #map}, {transform_indices = #map1}, {transform_indices = #map1}, {transform_indices = #map1}, {transform_indices = #map1}]} {
    %mul3A = arith.constant 16 : i32
    %mul3A_0 = arith.muli %arg0, %mul3A : i32
    %add3A = arith.addi %mul3A_0, %arg1 : i32
    %mul3A_1 = arith.constant 5000 : i32
    %mul3A_2 = arith.muli %add3A, %mul3A_1 : i32
    %dma_start3A = arith.constant 0 : i32
    %dma_start3A_3 = tpu.memref_slice %arg13[%dma_start3A] : memref<5008xi32, #tpu.memory_space<vmem>> -> memref<5000xi32, #tpu.memory_space<vmem>>
    %dma_start3A_4 = tpu.memref_slice %arg2[%mul3A_2] : memref<160000xi32, #tpu.memory_space<hbm>> -> memref<5000xi32, #tpu.memory_space<hbm>>
    %dma_start3A_5 = arith.constant 0 : i32
    %dma_start3A_6 = tpu.memref_slice %arg13[%dma_start3A_5] : memref<5008xi32, #tpu.memory_space<vmem>> -> memref<5000xi32, #tpu.memory_space<vmem>>
    %dma_start3A_7 = tpu.memref_slice %arg2[%mul3A_2] : memref<160000xi32, #tpu.memory_space<hbm>> -> memref<5000xi32, #tpu.memory_space<hbm>>
    tpu.enqueue_dma source(%dma_start3A_7 : memref<5000xi32, #tpu.memory_space<hbm>>) target(%dma_start3A_6 : memref<5000xi32, #tpu.memory_space<vmem>>) target_semaphore(%arg17 : memref<!tpu.dma_semaphore, #tpu.memory_space<semaphore_mem>>)
    %dma_start3A_8 = arith.constant 0 : i32
    %dma_start3A_9 = tpu.memref_slice %arg14[%dma_start3A_8] : memref<5008xi32, #tpu.memory_space<vmem>> -> memref<5000xi32, #tpu.memory_space<vmem>>
    %dma_start3A_10 = tpu.memref_slice %arg3[%mul3A_2] : memref<160000xi32, #tpu.memory_space<hbm>> -> memref<5000xi32, #tpu.memory_space<hbm>>
    %dma_start3A_11 = arith.constant 0 : i32
    %dma_start3A_12 = tpu.memref_slice %arg14[%dma_start3A_11] : memref<5008xi32, #tpu.memory_space<vmem>> -> memref<5000xi32, #tpu.memory_space<vmem>>
    %dma_start3A_13 = tpu.memref_slice %arg3[%mul3A_2] : memref<160000xi32, #tpu.memory_space<hbm>> -> memref<5000xi32, #tpu.memory_space<hbm>>
    tpu.enqueue_dma source(%dma_start3A_13 : memref<5000xi32, #tpu.memory_space<hbm>>) target(%dma_start3A_12 : memref<5000xi32, #tpu.memory_space<vmem>>) target_semaphore(%arg17 : memref<!tpu.dma_semaphore, #tpu.memory_space<semaphore_mem>>)
    %dma_start3A_14 = arith.constant 0 : i32
    %dma_start3A_15 = tpu.memref_slice %arg15[%dma_start3A_14] : memref<5008xi32, #tpu.memory_space<vmem>> -> memref<5000xi32, #tpu.memory_space<vmem>>
    %dma_start3A_16 = tpu.memref_slice %arg4[%mul3A_2] : memref<160000xi32, #tpu.memory_space<hbm>> -> memref<5000xi32, #tpu.memory_space<hbm>>
    %dma_start3A_17 = arith.constant 0 : i32
    %dma_start3A_18 = tpu.memref_slice %arg15[%dma_start3A_17] : memref<5008xi32, #tpu.memory_space<vmem>> -> memref<5000xi32, #tpu.memory_space<vmem>>
    %dma_start3A_19 = tpu.memref_slice %arg4[%mul3A_2] : memref<160000xi32, #tpu.memory_space<hbm>> -> memref<5000xi32, #tpu.memory_space<hbm>>
    tpu.enqueue_dma source(%dma_start3A_19 : memref<5000xi32, #tpu.memory_space<hbm>>) target(%dma_start3A_18 : memref<5000xi32, #tpu.memory_space<vmem>>) target_semaphore(%arg17 : memref<!tpu.dma_semaphore, #tpu.memory_space<semaphore_mem>>)
    "tpu.region"() ({
      %run_scoped3A = tpu.sem_alloc : memref<!tpu.dma_semaphore, #tpu.memory_space<semaphore_mem>>
      tpu.enqueue_dma source(%arg5 : memref<5x256xf32, #tpu.memory_space<hbm>>) target(%arg9 : memref<5x256xf32, #tpu.memory_space<vmem>>) target_semaphore(%run_scoped3A : memref<!tpu.dma_semaphore, #tpu.memory_space<semaphore_mem>>)
      tpu.wait_dma2 semaphore(%run_scoped3A : memref<!tpu.dma_semaphore, #tpu.memory_space<semaphore_mem>>) src(%arg5 : memref<5x256xf32, #tpu.memory_space<hbm>>) dst(%arg9 : memref<5x256xf32, #tpu.memory_space<vmem>>)
      tpu.yield
    }) : () -> ()
    "tpu.region"() ({
      %run_scoped3A = tpu.sem_alloc : memref<!tpu.dma_semaphore, #tpu.memory_space<semaphore_mem>>
      tpu.enqueue_dma source(%arg6 : memref<6x256xf32, #tpu.memory_space<hbm>>) target(%arg10 : memref<6x256xf32, #tpu.memory_space<vmem>>) target_semaphore(%run_scoped3A : memref<!tpu.dma_semaphore, #tpu.memory_space<semaphore_mem>>)
      tpu.wait_dma2 semaphore(%run_scoped3A : memref<!tpu.dma_semaphore, #tpu.memory_space<semaphore_mem>>) src(%arg6 : memref<6x256xf32, #tpu.memory_space<hbm>>) dst(%arg10 : memref<6x256xf32, #tpu.memory_space<vmem>>)
      tpu.yield
    }) : () -> ()
    "tpu.region"() ({
      %run_scoped3A = tpu.sem_alloc : memref<!tpu.dma_semaphore, #tpu.memory_space<semaphore_mem>>
      tpu.enqueue_dma source(%arg7 : memref<2x256xf32, #tpu.memory_space<hbm>>) target(%arg11 : memref<2x256xf32, #tpu.memory_space<vmem>>) target_semaphore(%run_scoped3A : memref<!tpu.dma_semaphore, #tpu.memory_space<semaphore_mem>>)
      tpu.wait_dma2 semaphore(%run_scoped3A : memref<!tpu.dma_semaphore, #tpu.memory_space<semaphore_mem>>) src(%arg7 : memref<2x256xf32, #tpu.memory_space<hbm>>) dst(%arg11 : memref<2x256xf32, #tpu.memory_space<vmem>>)
      tpu.yield
    }) : () -> ()
    %scan3A = arith.constant 0 : i32
    %scan3A_20 = arith.constant 60 : i32
    %scan3A_21 = arith.addi %scan3A, %scan3A_20 : i32
    %scan3A_22 = arith.constant 1 : i32
    scf.for %scan3A_192 = %scan3A to %scan3A_21 step %scan3A_22  : i32 {
      %jit3A = arith.constant 12 : i32
      %div3A = arith.divsi %scan3A_192, %jit3A : i32
      %sign3A = arith.constant 0 : i32
      %sign3A_193 = arith.cmpi sgt, %scan3A_192, %sign3A : i32
      %sign3A_194 = arith.extui %sign3A_193 : i1 to i32
      %sign3A_195 = arith.constant 0 : i32
      %sign3A_196 = arith.cmpi slt, %scan3A_192, %sign3A_195 : i32
      %sign3A_197 = arith.extui %sign3A_196 : i1 to i32
      %sign3A_198 = arith.subi %sign3A_194, %sign3A_197 : i32
      %sign3A_199 = arith.constant 0 : i32
      %sign3A_200 = arith.cmpi sgt, %jit3A, %sign3A_199 : i32
      %sign3A_201 = arith.extui %sign3A_200 : i1 to i32
      %sign3A_202 = arith.constant 0 : i32
      %sign3A_203 = arith.cmpi slt, %jit3A, %sign3A_202 : i32
      %sign3A_204 = arith.extui %sign3A_203 : i1 to i32
      %sign3A_205 = arith.subi %sign3A_201, %sign3A_204 : i32
      %ne3A = arith.cmpi ne, %sign3A_198, %sign3A_205 : i32
      %rem3A = arith.remsi %scan3A_192, %jit3A : i32
      %ne3A_206 = arith.constant 0 : i32
      %ne3A_207 = arith.cmpi ne, %rem3A, %ne3A_206 : i32
      %and3A = arith.andi %ne3A, %ne3A_207 : i1
      %sub3A = arith.constant 1 : i32
      %sub3A_208 = arith.subi %div3A, %sub3A : i32
      %select_n3A = arith.select %and3A, %sub3A_208, %div3A : i32
      %mul3A_209 = arith.constant 12 : i32
      %mul3A_210 = arith.muli %select_n3A, %mul3A_209 : i32
      %sub3A_211 = arith.subi %scan3A_192, %mul3A_210 : i32
      %jit3A_212 = arith.constant 2 : i32
      %div3A_213 = arith.divsi %sub3A_211, %jit3A_212 : i32
      %sign3A_214 = arith.constant 0 : i32
      %sign3A_215 = arith.cmpi sgt, %sub3A_211, %sign3A_214 : i32
      %sign3A_216 = arith.extui %sign3A_215 : i1 to i32
      %sign3A_217 = arith.constant 0 : i32
      %sign3A_218 = arith.cmpi slt, %sub3A_211, %sign3A_217 : i32
      %sign3A_219 = arith.extui %sign3A_218 : i1 to i32
      %sign3A_220 = arith.subi %sign3A_216, %sign3A_219 : i32
      %sign3A_221 = arith.constant 0 : i32
      %sign3A_222 = arith.cmpi sgt, %jit3A_212, %sign3A_221 : i32
      %sign3A_223 = arith.extui %sign3A_222 : i1 to i32
      %sign3A_224 = arith.constant 0 : i32
      %sign3A_225 = arith.cmpi slt, %jit3A_212, %sign3A_224 : i32
      %sign3A_226 = arith.extui %sign3A_225 : i1 to i32
      %sign3A_227 = arith.subi %sign3A_223, %sign3A_226 : i32
      %ne3A_228 = arith.cmpi ne, %sign3A_220, %sign3A_227 : i32
      %rem3A_229 = arith.remsi %sub3A_211, %jit3A_212 : i32
      %ne3A_230 = arith.constant 0 : i32
      %ne3A_231 = arith.cmpi ne, %rem3A_229, %ne3A_230 : i32
      %and3A_232 = arith.andi %ne3A_228, %ne3A_231 : i1
      %sub3A_233 = arith.constant 1 : i32
      %sub3A_234 = arith.subi %div3A_213, %sub3A_233 : i32
      %select_n3A_235 = arith.select %and3A_232, %sub3A_234, %div3A_213 : i32
      %mul3A_236 = arith.constant 2 : i32
      %mul3A_237 = arith.muli %select_n3A_235, %mul3A_236 : i32
      %sub3A_238 = arith.subi %sub3A_211, %mul3A_237 : i32
      %get3A_239 = arith.index_cast %select_n3A : i32 to index
      %get3A_240 = arith.constant 0 : index
      %get3A_241 = tpu.vector_load %arg9[%get3A_239, %get3A_240] {strides = array<i32>} : memref<5x256xf32, #tpu.memory_space<vmem>>, vector<1x16xf32>,
      %get3A_242 = vector.shape_cast %get3A_241 : vector<1x16xf32> to vector<16xf32>
      %get3A_243 = arith.index_cast %select_n3A_235 : i32 to index
      %get3A_244 = arith.constant 0 : index
      %get3A_245 = tpu.vector_load %arg10[%get3A_243, %get3A_244] {strides = array<i32>} : memref<6x256xf32, #tpu.memory_space<vmem>>, vector<1x16xf32>,
      %get3A_246 = vector.shape_cast %get3A_245 : vector<1x16xf32> to vector<16xf32>
      %add3A_247 = arith.addf %get3A_242, %get3A_246 : vector<16xf32>
      %get3A_248 = arith.index_cast %sub3A_238 : i32 to index
      %get3A_249 = arith.constant 0 : index
      %get3A_250 = tpu.vector_load %arg11[%get3A_248, %get3A_249] {strides = array<i32>} : memref<2x256xf32, #tpu.memory_space<vmem>>, vector<1x16xf32>,
      %get3A_251 = vector.shape_cast %get3A_250 : vector<1x16xf32> to vector<16xf32>
      %add3A_252 = arith.addf %add3A_247, %get3A_251 : vector<16xf32>
      %swap3A = arith.index_cast %scan3A_192 : i32 to index
      %swap3A_253 = arith.constant 0 : index
      %swap3A_254 = tpu.vector_load %arg12[%swap3A, %swap3A_253] {strides = array<i32>} : memref<64x256xf32, #tpu.memory_space<vmem>>, vector<1x16xf32>,
      %swap3A_255 = vector.shape_cast %swap3A_254 : vector<1x16xf32> to vector<16xf32>
      %swap3A_256 = vector.shape_cast %add3A_252 : vector<16xf32> to vector<1x16xf32>
      tpu.vector_store %arg12[%swap3A, %swap3A_253], %swap3A_256 {strides = array<i32>} : memref<64x256xf32, #tpu.memory_space<vmem>>, vector<1x16xf32>,
      %get3A_257 = arith.index_cast %select_n3A : i32 to index
      %get3A_258 = arith.constant 16 : index
      %get3A_259 = tpu.vector_load %arg9[%get3A_257, %get3A_258] {strides = array<i32>} : memref<5x256xf32, #tpu.memory_space<vmem>>, vector<1x16xf32>,
      %get3A_260 = vector.shape_cast %get3A_259 : vector<1x16xf32> to vector<16xf32>
      %get3A_261 = arith.index_cast %select_n3A_235 : i32 to index
      %get3A_262 = arith.constant 16 : index
      %get3A_263 = tpu.vector_load %arg10[%get3A_261, %get3A_262] {strides = array<i32>} : memref<6x256xf32, #tpu.memory_space<vmem>>, vector<1x16xf32>,
      %get3A_264 = vector.shape_cast %get3A_263 : vector<1x16xf32> to vector<16xf32>
      %add3A_265 = arith.addf %get3A_260, %get3A_264 : vector<16xf32>
      %get3A_266 = arith.index_cast %sub3A_238 : i32 to index
      %get3A_267 = arith.constant 16 : index
      %get3A_268 = tpu.vector_load %arg11[%get3A_266, %get3A_267] {strides = array<i32>} : memref<2x256xf32, #tpu.memory_space<vmem>>, vector<1x16xf32>,
      %get3A_269 = vector.shape_cast %get3A_268 : vector<1x16xf32> to vector<16xf32>
      %add3A_270 = arith.addf %add3A_265, %get3A_269 : vector<16xf32>
      %swap3A_271 = arith.index_cast %scan3A_192 : i32 to index
      %swap3A_272 = arith.constant 16 : index
      %swap3A_273 = tpu.vector_load %arg12[%swap3A_271, %swap3A_272] {strides = array<i32>} : memref<64x256xf32, #tpu.memory_space<vmem>>, vector<1x16xf32>,
      %swap3A_274 = vector.shape_cast %swap3A_273 : vector<1x16xf32> to vector<16xf32>
      %swap3A_275 = vector.shape_cast %add3A_270 : vector<16xf32> to vector<1x16xf32>
      tpu.vector_store %arg12[%swap3A_271, %swap3A_272], %swap3A_275 {strides = array<i32>} : memref<64x256xf32, #tpu.memory_space<vmem>>, vector<1x16xf32>,
      %get3A_276 = arith.index_cast %select_n3A : i32 to index
      %get3A_277 = arith.constant 32 : index
      %get3A_278 = tpu.vector_load %arg9[%get3A_276, %get3A_277] {strides = array<i32>} : memref<5x256xf32, #tpu.memory_space<vmem>>, vector<1x16xf32>,
      %get3A_279 = vector.shape_cast %get3A_278 : vector<1x16xf32> to vector<16xf32>
      %get3A_280 = arith.index_cast %select_n3A_235 : i32 to index
      %get3A_281 = arith.constant 32 : index
      %get3A_282 = tpu.vector_load %arg10[%get3A_280, %get3A_281] {strides = array<i32>} : memref<6x256xf32, #tpu.memory_space<vmem>>, vector<1x16xf32>,
      %get3A_283 = vector.shape_cast %get3A_282 : vector<1x16xf32> to vector<16xf32>
      %add3A_284 = arith.addf %get3A_279, %get3A_283 : vector<16xf32>
      %get3A_285 = arith.index_cast %sub3A_238 : i32 to index
      %get3A_286 = arith.constant 32 : index
      %get3A_287 = tpu.vector_load %arg11[%get3A_285, %get3A_286] {strides = array<i32>} : memref<2x256xf32, #tpu.memory_space<vmem>>, vector<1x16xf32>,
      %get3A_288 = vector.shape_cast %get3A_287 : vector<1x16xf32> to vector<16xf32>
      %add3A_289 = arith.addf %add3A_284, %get3A_288 : vector<16xf32>
      %swap3A_290 = arith.index_cast %scan3A_192 : i32 to index
      %swap3A_291 = arith.constant 32 : index
      %swap3A_292 = tpu.vector_load %arg12[%swap3A_290, %swap3A_291] {strides = array<i32>} : memref<64x256xf32, #tpu.memory_space<vmem>>, vector<1x16xf32>,
      %swap3A_293 = vector.shape_cast %swap3A_292 : vector<1x16xf32> to vector<16xf32>
      %swap3A_294 = vector.shape_cast %add3A_289 : vector<16xf32> to vector<1x16xf32>
      tpu.vector_store %arg12[%swap3A_290, %swap3A_291], %swap3A_294 {strides = array<i32>} : memref<64x256xf32, #tpu.memory_space<vmem>>, vector<1x16xf32>,
      %get3A_295 = arith.index_cast %select_n3A : i32 to index
      %get3A_296 = arith.constant 48 : index
      %get3A_297 = tpu.vector_load %arg9[%get3A_295, %get3A_296] {strides = array<i32>} : memref<5x256xf32, #tpu.memory_space<vmem>>, vector<1x16xf32>,
      %get3A_298 = vector.shape_cast %get3A_297 : vector<1x16xf32> to vector<16xf32>
      %get3A_299 = arith.index_cast %select_n3A_235 : i32 to index
      %get3A_300 = arith.constant 48 : index
      %get3A_301 = tpu.vector_load %arg10[%get3A_299, %get3A_300] {strides = array<i32>} : memref<6x256xf32, #tpu.memory_space<vmem>>, vector<1x16xf32>,
      %get3A_302 = vector.shape_cast %get3A_301 : vector<1x16xf32> to vector<16xf32>
      %add3A_303 = arith.addf %get3A_298, %get3A_302 : vector<16xf32>
      %get3A_304 = arith.index_cast %sub3A_238 : i32 to index
      %get3A_305 = arith.constant 48 : index
      %get3A_306 = tpu.vector_load %arg11[%get3A_304, %get3A_305] {strides = array<i32>} : memref<2x256xf32, #tpu.memory_space<vmem>>, vector<1x16xf32>,
      %get3A_307 = vector.shape_cast %get3A_306 : vector<1x16xf32> to vector<16xf32>
      %add3A_308 = arith.addf %add3A_303, %get3A_307 : vector<16xf32>
      %swap3A_309 = arith.index_cast %scan3A_192 : i32 to index
      %swap3A_310 = arith.constant 48 : index
      %swap3A_311 = tpu.vector_load %arg12[%swap3A_309, %swap3A_310] {strides = array<i32>} : memref<64x256xf32, #tpu.memory_space<vmem>>, vector<1x16xf32>,
      %swap3A_312 = vector.shape_cast %swap3A_311 : vector<1x16xf32> to vector<16xf32>
      %swap3A_313 = vector.shape_cast %add3A_308 : vector<16xf32> to vector<1x16xf32>
      tpu.vector_store %arg12[%swap3A_309, %swap3A_310], %swap3A_313 {strides = array<i32>} : memref<64x256xf32, #tpu.memory_space<vmem>>, vector<1x16xf32>,
      %get3A_314 = arith.index_cast %select_n3A : i32 to index
      %get3A_315 = arith.constant 64 : index
      %get3A_316 = tpu.vector_load %arg9[%get3A_314, %get3A_315] {strides = array<i32>} : memref<5x256xf32, #tpu.memory_space<vmem>>, vector<1x16xf32>,
      %get3A_317 = vector.shape_cast %get3A_316 : vector<1x16xf32> to vector<16xf32>
      %get3A_318 = arith.index_cast %select_n3A_235 : i32 to index
      %get3A_319 = arith.constant 64 : index
      %get3A_320 = tpu.vector_load %arg10[%get3A_318, %get3A_319] {strides = array<i32>} : memref<6x256xf32, #tpu.memory_space<vmem>>, vector<1x16xf32>,
      %get3A_321 = vector.shape_cast %get3A_320 : vector<1x16xf32> to vector<16xf32>
      %add3A_322 = arith.addf %get3A_317, %get3A_321 : vector<16xf32>
      %get3A_323 = arith.index_cast %sub3A_238 : i32 to index
      %get3A_324 = arith.constant 64 : index
      %get3A_325 = tpu.vector_load %arg11[%get3A_323, %get3A_324] {strides = array<i32>} : memref<2x256xf32, #tpu.memory_space<vmem>>, vector<1x16xf32>,
      %get3A_326 = vector.shape_cast %get3A_325 : vector<1x16xf32> to vector<16xf32>
      %add3A_327 = arith.addf %add3A_322, %get3A_326 : vector<16xf32>
      %swap3A_328 = arith.index_cast %scan3A_192 : i32 to index
      %swap3A_329 = arith.constant 64 : index
      %swap3A_330 = tpu.vector_load %arg12[%swap3A_328, %swap3A_329] {strides = array<i32>} : memref<64x256xf32, #tpu.memory_space<vmem>>, vector<1x16xf32>,
      %swap3A_331 = vector.shape_cast %swap3A_330 : vector<1x16xf32> to vector<16xf32>
      %swap3A_332 = vector.shape_cast %add3A_327 : vector<16xf32> to vector<1x16xf32>
      tpu.vector_store %arg12[%swap3A_328, %swap3A_329], %swap3A_332 {strides = array<i32>} : memref<64x256xf32, #tpu.memory_space<vmem>>, vector<1x16xf32>,
      %get3A_333 = arith.index_cast %select_n3A : i32 to index
      %get3A_334 = arith.constant 80 : index
      %get3A_335 = tpu.vector_load %arg9[%get3A_333, %get3A_334] {strides = array<i32>} : memref<5x256xf32, #tpu.memory_space<vmem>>, vector<1x16xf32>,
      %get3A_336 = vector.shape_cast %get3A_335 : vector<1x16xf32> to vector<16xf32>
      %get3A_337 = arith.index_cast %select_n3A_235 : i32 to index
      %get3A_338 = arith.constant 80 : index
      %get3A_339 = tpu.vector_load %arg10[%get3A_337, %get3A_338] {strides = array<i32>} : memref<6x256xf32, #tpu.memory_space<vmem>>, vector<1x16xf32>,
      %get3A_340 = vector.shape_cast %get3A_339 : vector<1x16xf32> to vector<16xf32>
      %add3A_341 = arith.addf %get3A_336, %get3A_340 : vector<16xf32>
      %get3A_342 = arith.index_cast %sub3A_238 : i32 to index
      %get3A_343 = arith.constant 80 : index
      %get3A_344 = tpu.vector_load %arg11[%get3A_342, %get3A_343] {strides = array<i32>} : memref<2x256xf32, #tpu.memory_space<vmem>>, vector<1x16xf32>,
      %get3A_345 = vector.shape_cast %get3A_344 : vector<1x16xf32> to vector<16xf32>
      %add3A_346 = arith.addf %add3A_341, %get3A_345 : vector<16xf32>
      %swap3A_347 = arith.index_cast %scan3A_192 : i32 to index
      %swap3A_348 = arith.constant 80 : index
      %swap3A_349 = tpu.vector_load %arg12[%swap3A_347, %swap3A_348] {strides = array<i32>} : memref<64x256xf32, #tpu.memory_space<vmem>>, vector<1x16xf32>,
      %swap3A_350 = vector.shape_cast %swap3A_349 : vector<1x16xf32> to vector<16xf32>
      %swap3A_351 = vector.shape_cast %add3A_346 : vector<16xf32> to vector<1x16xf32>
      tpu.vector_store %arg12[%swap3A_347, %swap3A_348], %swap3A_351 {strides = array<i32>} : memref<64x256xf32, #tpu.memory_space<vmem>>, vector<1x16xf32>,
      %get3A_352 = arith.index_cast %select_n3A : i32 to index
      %get3A_353 = arith.constant 96 : index
      %get3A_354 = tpu.vector_load %arg9[%get3A_352, %get3A_353] {strides = array<i32>} : memref<5x256xf32, #tpu.memory_space<vmem>>, vector<1x16xf32>,
      %get3A_355 = vector.shape_cast %get3A_354 : vector<1x16xf32> to vector<16xf32>
      %get3A_356 = arith.index_cast %select_n3A_235 : i32 to index
      %get3A_357 = arith.constant 96 : index
      %get3A_358 = tpu.vector_load %arg10[%get3A_356, %get3A_357] {strides = array<i32>} : memref<6x256xf32, #tpu.memory_space<vmem>>, vector<1x16xf32>,
      %get3A_359 = vector.shape_cast %get3A_358 : vector<1x16xf32> to vector<16xf32>
      %add3A_360 = arith.addf %get3A_355, %get3A_359 : vector<16xf32>
      %get3A_361 = arith.index_cast %sub3A_238 : i32 to index
      %get3A_362 = arith.constant 96 : index
      %get3A_363 = tpu.vector_load %arg11[%get3A_361, %get3A_362] {strides = array<i32>} : memref<2x256xf32, #tpu.memory_space<vmem>>, vector<1x16xf32>,
      %get3A_364 = vector.shape_cast %get3A_363 : vector<1x16xf32> to vector<16xf32>
      %add3A_365 = arith.addf %add3A_360, %get3A_364 : vector<16xf32>
      %swap3A_366 = arith.index_cast %scan3A_192 : i32 to index
      %swap3A_367 = arith.constant 96 : index
      %swap3A_368 = tpu.vector_load %arg12[%swap3A_366, %swap3A_367] {strides = array<i32>} : memref<64x256xf32, #tpu.memory_space<vmem>>, vector<1x16xf32>,
      %swap3A_369 = vector.shape_cast %swap3A_368 : vector<1x16xf32> to vector<16xf32>
      %swap3A_370 = vector.shape_cast %add3A_365 : vector<16xf32> to vector<1x16xf32>
      tpu.vector_store %arg12[%swap3A_366, %swap3A_367], %swap3A_370 {strides = array<i32>} : memref<64x256xf32, #tpu.memory_space<vmem>>, vector<1x16xf32>,
      %get3A_371 = arith.index_cast %select_n3A : i32 to index
      %get3A_372 = arith.constant 112 : index
      %get3A_373 = tpu.vector_load %arg9[%get3A_371, %get3A_372] {strides = array<i32>} : memref<5x256xf32, #tpu.memory_space<vmem>>, vector<1x16xf32>,
      %get3A_374 = vector.shape_cast %get3A_373 : vector<1x16xf32> to vector<16xf32>
      %get3A_375 = arith.index_cast %select_n3A_235 : i32 to index
      %get3A_376 = arith.constant 112 : index
      %get3A_377 = tpu.vector_load %arg10[%get3A_375, %get3A_376] {strides = array<i32>} : memref<6x256xf32, #tpu.memory_space<vmem>>, vector<1x16xf32>,
      %get3A_378 = vector.shape_cast %get3A_377 : vector<1x16xf32> to vector<16xf32>
      %add3A_379 = arith.addf %get3A_374, %get3A_378 : vector<16xf32>
      %get3A_380 = arith.index_cast %sub3A_238 : i32 to index
      %get3A_381 = arith.constant 112 : index
      %get3A_382 = tpu.vector_load %arg11[%get3A_380, %get3A_381] {strides = array<i32>} : memref<2x256xf32, #tpu.memory_space<vmem>>, vector<1x16xf32>,
      %get3A_383 = vector.shape_cast %get3A_382 : vector<1x16xf32> to vector<16xf32>
      %add3A_384 = arith.addf %add3A_379, %get3A_383 : vector<16xf32>
      %swap3A_385 = arith.index_cast %scan3A_192 : i32 to index
      %swap3A_386 = arith.constant 112 : index
      %swap3A_387 = tpu.vector_load %arg12[%swap3A_385, %swap3A_386] {strides = array<i32>} : memref<64x256xf32, #tpu.memory_space<vmem>>, vector<1x16xf32>,
      %swap3A_388 = vector.shape_cast %swap3A_387 : vector<1x16xf32> to vector<16xf32>
      %swap3A_389 = vector.shape_cast %add3A_384 : vector<16xf32> to vector<1x16xf32>
      tpu.vector_store %arg12[%swap3A_385, %swap3A_386], %swap3A_389 {strides = array<i32>} : memref<64x256xf32, #tpu.memory_space<vmem>>, vector<1x16xf32>,
      %get3A_390 = arith.index_cast %select_n3A : i32 to index
      %get3A_391 = arith.constant 128 : index
      %get3A_392 = tpu.vector_load %arg9[%get3A_390, %get3A_391] {strides = array<i32>} : memref<5x256xf32, #tpu.memory_space<vmem>>, vector<1x16xf32>,
      %get3A_393 = vector.shape_cast %get3A_392 : vector<1x16xf32> to vector<16xf32>
      %get3A_394 = arith.index_cast %select_n3A_235 : i32 to index
      %get3A_395 = arith.constant 128 : index
      %get3A_396 = tpu.vector_load %arg10[%get3A_394, %get3A_395] {strides = array<i32>} : memref<6x256xf32, #tpu.memory_space<vmem>>, vector<1x16xf32>,
      %get3A_397 = vector.shape_cast %get3A_396 : vector<1x16xf32> to vector<16xf32>
      %add3A_398 = arith.addf %get3A_393, %get3A_397 : vector<16xf32>
      %get3A_399 = arith.index_cast %sub3A_238 : i32 to index
      %get3A_400 = arith.constant 128 : index
      %get3A_401 = tpu.vector_load %arg11[%get3A_399, %get3A_400] {strides = array<i32>} : memref<2x256xf32, #tpu.memory_space<vmem>>, vector<1x16xf32>,
      %get3A_402 = vector.shape_cast %get3A_401 : vector<1x16xf32> to vector<16xf32>
      %add3A_403 = arith.addf %add3A_398, %get3A_402 : vector<16xf32>
      %swap3A_404 = arith.index_cast %scan3A_192 : i32 to index
      %swap3A_405 = arith.constant 128 : index
      %swap3A_406 = tpu.vector_load %arg12[%swap3A_404, %swap3A_405] {strides = array<i32>} : memref<64x256xf32, #tpu.memory_space<vmem>>, vector<1x16xf32>,
      %swap3A_407 = vector.shape_cast %swap3A_406 : vector<1x16xf32> to vector<16xf32>
      %swap3A_408 = vector.shape_cast %add3A_403 : vector<16xf32> to vector<1x16xf32>
      tpu.vector_store %arg12[%swap3A_404, %swap3A_405], %swap3A_408 {strides = array<i32>} : memref<64x256xf32, #tpu.memory_space<vmem>>, vector<1x16xf32>,
      %get3A_409 = arith.index_cast %select_n3A : i32 to index
      %get3A_410 = arith.constant 144 : index
      %get3A_411 = tpu.vector_load %arg9[%get3A_409, %get3A_410] {strides = array<i32>} : memref<5x256xf32, #tpu.memory_space<vmem>>, vector<1x16xf32>,
      %get3A_412 = vector.shape_cast %get3A_411 : vector<1x16xf32> to vector<16xf32>
      %get3A_413 = arith.index_cast %select_n3A_235 : i32 to index
      %get3A_414 = arith.constant 144 : index
      %get3A_415 = tpu.vector_load %arg10[%get3A_413, %get3A_414] {strides = array<i32>} : memref<6x256xf32, #tpu.memory_space<vmem>>, vector<1x16xf32>,
      %get3A_416 = vector.shape_cast %get3A_415 : vector<1x16xf32> to vector<16xf32>
      %add3A_417 = arith.addf %get3A_412, %get3A_416 : vector<16xf32>
      %get3A_418 = arith.index_cast %sub3A_238 : i32 to index
      %get3A_419 = arith.constant 144 : index
      %get3A_420 = tpu.vector_load %arg11[%get3A_418, %get3A_419] {strides = array<i32>} : memref<2x256xf32, #tpu.memory_space<vmem>>, vector<1x16xf32>,
      %get3A_421 = vector.shape_cast %get3A_420 : vector<1x16xf32> to vector<16xf32>
      %add3A_422 = arith.addf %add3A_417, %get3A_421 : vector<16xf32>
      %swap3A_423 = arith.index_cast %scan3A_192 : i32 to index
      %swap3A_424 = arith.constant 144 : index
      %swap3A_425 = tpu.vector_load %arg12[%swap3A_423, %swap3A_424] {strides = array<i32>} : memref<64x256xf32, #tpu.memory_space<vmem>>, vector<1x16xf32>,
      %swap3A_426 = vector.shape_cast %swap3A_425 : vector<1x16xf32> to vector<16xf32>
      %swap3A_427 = vector.shape_cast %add3A_422 : vector<16xf32> to vector<1x16xf32>
      tpu.vector_store %arg12[%swap3A_423, %swap3A_424], %swap3A_427 {strides = array<i32>} : memref<64x256xf32, #tpu.memory_space<vmem>>, vector<1x16xf32>,
      %get3A_428 = arith.index_cast %select_n3A : i32 to index
      %get3A_429 = arith.constant 160 : index
      %get3A_430 = tpu.vector_load %arg9[%get3A_428, %get3A_429] {strides = array<i32>} : memref<5x256xf32, #tpu.memory_space<vmem>>, vector<1x16xf32>,
      %get3A_431 = vector.shape_cast %get3A_430 : vector<1x16xf32> to vector<16xf32>
      %get3A_432 = arith.index_cast %select_n3A_235 : i32 to index
      %get3A_433 = arith.constant 160 : index
      %get3A_434 = tpu.vector_load %arg10[%get3A_432, %get3A_433] {strides = array<i32>} : memref<6x256xf32, #tpu.memory_space<vmem>>, vector<1x16xf32>,
      %get3A_435 = vector.shape_cast %get3A_434 : vector<1x16xf32> to vector<16xf32>
      %add3A_436 = arith.addf %get3A_431, %get3A_435 : vector<16xf32>
      %get3A_437 = arith.index_cast %sub3A_238 : i32 to index
      %get3A_438 = arith.constant 160 : index
      %get3A_439 = tpu.vector_load %arg11[%get3A_437, %get3A_438] {strides = array<i32>} : memref<2x256xf32, #tpu.memory_space<vmem>>, vector<1x16xf32>,
      %get3A_440 = vector.shape_cast %get3A_439 : vector<1x16xf32> to vector<16xf32>
      %add3A_441 = arith.addf %add3A_436, %get3A_440 : vector<16xf32>
      %swap3A_442 = arith.index_cast %scan3A_192 : i32 to index
      %swap3A_443 = arith.constant 160 : index
      %swap3A_444 = tpu.vector_load %arg12[%swap3A_442, %swap3A_443] {strides = array<i32>} : memref<64x256xf32, #tpu.memory_space<vmem>>, vector<1x16xf32>,
      %swap3A_445 = vector.shape_cast %swap3A_444 : vector<1x16xf32> to vector<16xf32>
      %swap3A_446 = vector.shape_cast %add3A_441 : vector<16xf32> to vector<1x16xf32>
      tpu.vector_store %arg12[%swap3A_442, %swap3A_443], %swap3A_446 {strides = array<i32>} : memref<64x256xf32, #tpu.memory_space<vmem>>, vector<1x16xf32>,
      %get3A_447 = arith.index_cast %select_n3A : i32 to index
      %get3A_448 = arith.constant 176 : index
      %get3A_449 = tpu.vector_load %arg9[%get3A_447, %get3A_448] {strides = array<i32>} : memref<5x256xf32, #tpu.memory_space<vmem>>, vector<1x16xf32>,
      %get3A_450 = vector.shape_cast %get3A_449 : vector<1x16xf32> to vector<16xf32>
      %get3A_451 = arith.index_cast %select_n3A_235 : i32 to index
      %get3A_452 = arith.constant 176 : index
      %get3A_453 = tpu.vector_load %arg10[%get3A_451, %get3A_452] {strides = array<i32>} : memref<6x256xf32, #tpu.memory_space<vmem>>, vector<1x16xf32>,
      %get3A_454 = vector.shape_cast %get3A_453 : vector<1x16xf32> to vector<16xf32>
      %add3A_455 = arith.addf %get3A_450, %get3A_454 : vector<16xf32>
      %get3A_456 = arith.index_cast %sub3A_238 : i32 to index
      %get3A_457 = arith.constant 176 : index
      %get3A_458 = tpu.vector_load %arg11[%get3A_456, %get3A_457] {strides = array<i32>} : memref<2x256xf32, #tpu.memory_space<vmem>>, vector<1x16xf32>,
      %get3A_459 = vector.shape_cast %get3A_458 : vector<1x16xf32> to vector<16xf32>
      %add3A_460 = arith.addf %add3A_455, %get3A_459 : vector<16xf32>
      %swap3A_461 = arith.index_cast %scan3A_192 : i32 to index
      %swap3A_462 = arith.constant 176 : index
      %swap3A_463 = tpu.vector_load %arg12[%swap3A_461, %swap3A_462] {strides = array<i32>} : memref<64x256xf32, #tpu.memory_space<vmem>>, vector<1x16xf32>,
      %swap3A_464 = vector.shape_cast %swap3A_463 : vector<1x16xf32> to vector<16xf32>
      %swap3A_465 = vector.shape_cast %add3A_460 : vector<16xf32> to vector<1x16xf32>
      tpu.vector_store %arg12[%swap3A_461, %swap3A_462], %swap3A_465 {strides = array<i32>} : memref<64x256xf32, #tpu.memory_space<vmem>>, vector<1x16xf32>,
      %get3A_466 = arith.index_cast %select_n3A : i32 to index
      %get3A_467 = arith.constant 192 : index
      %get3A_468 = tpu.vector_load %arg9[%get3A_466, %get3A_467] {strides = array<i32>} : memref<5x256xf32, #tpu.memory_space<vmem>>, vector<1x16xf32>,
      %get3A_469 = vector.shape_cast %get3A_468 : vector<1x16xf32> to vector<16xf32>
      %get3A_470 = arith.index_cast %select_n3A_235 : i32 to index
      %get3A_471 = arith.constant 192 : index
      %get3A_472 = tpu.vector_load %arg10[%get3A_470, %get3A_471] {strides = array<i32>} : memref<6x256xf32, #tpu.memory_space<vmem>>, vector<1x16xf32>,
      %get3A_473 = vector.shape_cast %get3A_472 : vector<1x16xf32> to vector<16xf32>
      %add3A_474 = arith.addf %get3A_469, %get3A_473 : vector<16xf32>
      %get3A_475 = arith.index_cast %sub3A_238 : i32 to index
      %get3A_476 = arith.constant 192 : index
      %get3A_477 = tpu.vector_load %arg11[%get3A_475, %get3A_476] {strides = array<i32>} : memref<2x256xf32, #tpu.memory_space<vmem>>, vector<1x16xf32>,
      %get3A_478 = vector.shape_cast %get3A_477 : vector<1x16xf32> to vector<16xf32>
      %add3A_479 = arith.addf %add3A_474, %get3A_478 : vector<16xf32>
      %swap3A_480 = arith.index_cast %scan3A_192 : i32 to index
      %swap3A_481 = arith.constant 192 : index
      %swap3A_482 = tpu.vector_load %arg12[%swap3A_480, %swap3A_481] {strides = array<i32>} : memref<64x256xf32, #tpu.memory_space<vmem>>, vector<1x16xf32>,
      %swap3A_483 = vector.shape_cast %swap3A_482 : vector<1x16xf32> to vector<16xf32>
      %swap3A_484 = vector.shape_cast %add3A_479 : vector<16xf32> to vector<1x16xf32>
      tpu.vector_store %arg12[%swap3A_480, %swap3A_481], %swap3A_484 {strides = array<i32>} : memref<64x256xf32, #tpu.memory_space<vmem>>, vector<1x16xf32>,
      %get3A_485 = arith.index_cast %select_n3A : i32 to index
      %get3A_486 = arith.constant 208 : index
      %get3A_487 = tpu.vector_load %arg9[%get3A_485, %get3A_486] {strides = array<i32>} : memref<5x256xf32, #tpu.memory_space<vmem>>, vector<1x16xf32>,
      %get3A_488 = vector.shape_cast %get3A_487 : vector<1x16xf32> to vector<16xf32>
      %get3A_489 = arith.index_cast %select_n3A_235 : i32 to index
      %get3A_490 = arith.constant 208 : index
      %get3A_491 = tpu.vector_load %arg10[%get3A_489, %get3A_490] {strides = array<i32>} : memref<6x256xf32, #tpu.memory_space<vmem>>, vector<1x16xf32>,
      %get3A_492 = vector.shape_cast %get3A_491 : vector<1x16xf32> to vector<16xf32>
      %add3A_493 = arith.addf %get3A_488, %get3A_492 : vector<16xf32>
      %get3A_494 = arith.index_cast %sub3A_238 : i32 to index
      %get3A_495 = arith.constant 208 : index
      %get3A_496 = tpu.vector_load %arg11[%get3A_494, %get3A_495] {strides = array<i32>} : memref<2x256xf32, #tpu.memory_space<vmem>>, vector<1x16xf32>,
      %get3A_497 = vector.shape_cast %get3A_496 : vector<1x16xf32> to vector<16xf32>
      %add3A_498 = arith.addf %add3A_493, %get3A_497 : vector<16xf32>
      %swap3A_499 = arith.index_cast %scan3A_192 : i32 to index
      %swap3A_500 = arith.constant 208 : index
      %swap3A_501 = tpu.vector_load %arg12[%swap3A_499, %swap3A_500] {strides = array<i32>} : memref<64x256xf32, #tpu.memory_space<vmem>>, vector<1x16xf32>,
      %swap3A_502 = vector.shape_cast %swap3A_501 : vector<1x16xf32> to vector<16xf32>
      %swap3A_503 = vector.shape_cast %add3A_498 : vector<16xf32> to vector<1x16xf32>
      tpu.vector_store %arg12[%swap3A_499, %swap3A_500], %swap3A_503 {strides = array<i32>} : memref<64x256xf32, #tpu.memory_space<vmem>>, vector<1x16xf32>,
      %get3A_504 = arith.index_cast %select_n3A : i32 to index
      %get3A_505 = arith.constant 224 : index
      %get3A_506 = tpu.vector_load %arg9[%get3A_504, %get3A_505] {strides = array<i32>} : memref<5x256xf32, #tpu.memory_space<vmem>>, vector<1x16xf32>,
      %get3A_507 = vector.shape_cast %get3A_506 : vector<1x16xf32> to vector<16xf32>
      %get3A_508 = arith.index_cast %select_n3A_235 : i32 to index
      %get3A_509 = arith.constant 224 : index
      %get3A_510 = tpu.vector_load %arg10[%get3A_508, %get3A_509] {strides = array<i32>} : memref<6x256xf32, #tpu.memory_space<vmem>>, vector<1x16xf32>,
      %get3A_511 = vector.shape_cast %get3A_510 : vector<1x16xf32> to vector<16xf32>
      %add3A_512 = arith.addf %get3A_507, %get3A_511 : vector<16xf32>
      %get3A_513 = arith.index_cast %sub3A_238 : i32 to index
      %get3A_514 = arith.constant 224 : index
      %get3A_515 = tpu.vector_load %arg11[%get3A_513, %get3A_514] {strides = array<i32>} : memref<2x256xf32, #tpu.memory_space<vmem>>, vector<1x16xf32>,
      %get3A_516 = vector.shape_cast %get3A_515 : vector<1x16xf32> to vector<16xf32>
      %add3A_517 = arith.addf %add3A_512, %get3A_516 : vector<16xf32>
      %swap3A_518 = arith.index_cast %scan3A_192 : i32 to index
      %swap3A_519 = arith.constant 224 : index
      %swap3A_520 = tpu.vector_load %arg12[%swap3A_518, %swap3A_519] {strides = array<i32>} : memref<64x256xf32, #tpu.memory_space<vmem>>, vector<1x16xf32>,
      %swap3A_521 = vector.shape_cast %swap3A_520 : vector<1x16xf32> to vector<16xf32>
      %swap3A_522 = vector.shape_cast %add3A_517 : vector<16xf32> to vector<1x16xf32>
      tpu.vector_store %arg12[%swap3A_518, %swap3A_519], %swap3A_522 {strides = array<i32>} : memref<64x256xf32, #tpu.memory_space<vmem>>, vector<1x16xf32>,
      %get3A_523 = arith.index_cast %select_n3A : i32 to index
      %get3A_524 = arith.constant 240 : index
      %get3A_525 = tpu.vector_load %arg9[%get3A_523, %get3A_524] {strides = array<i32>} : memref<5x256xf32, #tpu.memory_space<vmem>>, vector<1x16xf32>,
      %get3A_526 = vector.shape_cast %get3A_525 : vector<1x16xf32> to vector<16xf32>
      %get3A_527 = arith.index_cast %select_n3A_235 : i32 to index
      %get3A_528 = arith.constant 240 : index
      %get3A_529 = tpu.vector_load %arg10[%get3A_527, %get3A_528] {strides = array<i32>} : memref<6x256xf32, #tpu.memory_space<vmem>>, vector<1x16xf32>,
      %get3A_530 = vector.shape_cast %get3A_529 : vector<1x16xf32> to vector<16xf32>
      %add3A_531 = arith.addf %get3A_526, %get3A_530 : vector<16xf32>
      %get3A_532 = arith.index_cast %sub3A_238 : i32 to index
      %get3A_533 = arith.constant 240 : index
      %get3A_534 = tpu.vector_load %arg11[%get3A_532, %get3A_533] {strides = array<i32>} : memref<2x256xf32, #tpu.memory_space<vmem>>, vector<1x16xf32>,
      %get3A_535 = vector.shape_cast %get3A_534 : vector<1x16xf32> to vector<16xf32>
      %add3A_536 = arith.addf %add3A_531, %get3A_535 : vector<16xf32>
      %swap3A_537 = arith.index_cast %scan3A_192 : i32 to index
      %swap3A_538 = arith.constant 240 : index
      %swap3A_539 = tpu.vector_load %arg12[%swap3A_537, %swap3A_538] {strides = array<i32>} : memref<64x256xf32, #tpu.memory_space<vmem>>, vector<1x16xf32>,
      %swap3A_540 = vector.shape_cast %swap3A_539 : vector<1x16xf32> to vector<16xf32>
      %swap3A_541 = vector.shape_cast %add3A_536 : vector<16xf32> to vector<1x16xf32>
      tpu.vector_store %arg12[%swap3A_537, %swap3A_538], %swap3A_541 {strides = array<i32>} : memref<64x256xf32, #tpu.memory_space<vmem>>, vector<1x16xf32>,
    }
    %scan3A_23 = arith.constant 60 : i32
    %dma_wait3A = arith.constant 0 : i32
    %dma_wait3A_24 = tpu.memref_slice %arg13[%dma_wait3A] : memref<5008xi32, #tpu.memory_space<vmem>> -> memref<5000xi32, #tpu.memory_space<vmem>>
    %dma_wait3A_25 = arith.constant 0 : i32
    %dma_wait3A_26 = tpu.memref_slice %arg2[%dma_wait3A_25] : memref<160000xi32, #tpu.memory_space<hbm>> -> memref<5000xi32, #tpu.memory_space<hbm>>
    %dma_wait3A_27 = arith.constant 0 : i32
    %dma_wait3A_28 = tpu.memref_slice %arg13[%dma_wait3A_27] : memref<5008xi32, #tpu.memory_space<vmem>> -> memref<5000xi32, #tpu.memory_space<vmem>>
    %dma_wait3A_29 = arith.constant 0 : i32
    %dma_wait3A_30 = tpu.memref_slice %arg2[%dma_wait3A_29] : memref<160000xi32, #tpu.memory_space<hbm>> -> memref<5000xi32, #tpu.memory_space<hbm>>
    tpu.wait_dma2 semaphore(%arg17 : memref<!tpu.dma_semaphore, #tpu.memory_space<semaphore_mem>>) src(%dma_wait3A_30 : memref<5000xi32, #tpu.memory_space<hbm>>) dst(%dma_wait3A_28 : memref<5000xi32, #tpu.memory_space<vmem>>)
    %dma_wait3A_31 = arith.constant 0 : i32
    %dma_wait3A_32 = tpu.memref_slice %arg13[%dma_wait3A_31] : memref<5008xi32, #tpu.memory_space<vmem>> -> memref<5000xi32, #tpu.memory_space<vmem>>
    %dma_wait3A_33 = arith.constant 0 : i32
    %dma_wait3A_34 = tpu.memref_slice %arg2[%dma_wait3A_33] : memref<160000xi32, #tpu.memory_space<hbm>> -> memref<5000xi32, #tpu.memory_space<hbm>>
    %dma_wait3A_35 = arith.constant 0 : i32
    %dma_wait3A_36 = tpu.memref_slice %arg13[%dma_wait3A_35] : memref<5008xi32, #tpu.memory_space<vmem>> -> memref<5000xi32, #tpu.memory_space<vmem>>
    %dma_wait3A_37 = arith.constant 0 : i32
    %dma_wait3A_38 = tpu.memref_slice %arg2[%dma_wait3A_37] : memref<160000xi32, #tpu.memory_space<hbm>> -> memref<5000xi32, #tpu.memory_space<hbm>>
    tpu.wait_dma2 semaphore(%arg17 : memref<!tpu.dma_semaphore, #tpu.memory_space<semaphore_mem>>) src(%dma_wait3A_38 : memref<5000xi32, #tpu.memory_space<hbm>>) dst(%dma_wait3A_36 : memref<5000xi32, #tpu.memory_space<vmem>>)
    %dma_wait3A_39 = arith.constant 0 : i32
    %dma_wait3A_40 = tpu.memref_slice %arg13[%dma_wait3A_39] : memref<5008xi32, #tpu.memory_space<vmem>> -> memref<5000xi32, #tpu.memory_space<vmem>>
    %dma_wait3A_41 = arith.constant 0 : i32
    %dma_wait3A_42 = tpu.memref_slice %arg2[%dma_wait3A_41] : memref<160000xi32, #tpu.memory_space<hbm>> -> memref<5000xi32, #tpu.memory_space<hbm>>
    %dma_wait3A_43 = arith.constant 0 : i32
    %dma_wait3A_44 = tpu.memref_slice %arg13[%dma_wait3A_43] : memref<5008xi32, #tpu.memory_space<vmem>> -> memref<5000xi32, #tpu.memory_space<vmem>>
    %dma_wait3A_45 = arith.constant 0 : i32
    %dma_wait3A_46 = tpu.memref_slice %arg2[%dma_wait3A_45] : memref<160000xi32, #tpu.memory_space<hbm>> -> memref<5000xi32, #tpu.memory_space<hbm>>
    tpu.wait_dma2 semaphore(%arg17 : memref<!tpu.dma_semaphore, #tpu.memory_space<semaphore_mem>>) src(%dma_wait3A_46 : memref<5000xi32, #tpu.memory_space<hbm>>) dst(%dma_wait3A_44 : memref<5000xi32, #tpu.memory_space<vmem>>)
    %scan3A_47 = arith.constant 0 : i32
    %scan3A_48 = arith.constant 313 : i32
    %scan3A_49 = arith.addi %scan3A_47, %scan3A_48 : i32
    %scan3A_50 = arith.constant 1 : i32
    scf.for %scan3A_192 = %scan3A_47 to %scan3A_49 step %scan3A_50  : i32 {
      %mul3A_193 = arith.constant 16 : i32
      %mul3A_194 = arith.muli %scan3A_192, %mul3A_193 : i32
      %get3A_195 = arith.index_cast %mul3A_194 : i32 to index
      %get3A_196 = tpu.vector_load %arg13[%get3A_195] {strides = array<i32>} : memref<5008xi32, #tpu.memory_space<vmem>>, vector<16xi32>,
      %get3A_197 = vector.shape_cast %get3A_196 : vector<16xi32> to vector<16xi32>
      %mul3A_198 = arith.constant 12 : i32
      %mul3A_199 = vector.broadcast %mul3A_198 : i32 to vector<16xi32>
      %mul3A_200 = arith.muli %get3A_197, %mul3A_199 : vector<16xi32>
      %get3A_201 = arith.index_cast %mul3A_194 : i32 to index
      %get3A_202 = tpu.vector_load %arg14[%get3A_201] {strides = array<i32>} : memref<5008xi32, #tpu.memory_space<vmem>>, vector<16xi32>,
      %get3A_203 = vector.shape_cast %get3A_202 : vector<16xi32> to vector<16xi32>
      %mul3A_204 = arith.constant 2 : i32
      %mul3A_205 = vector.broadcast %mul3A_204 : i32 to vector<16xi32>
      %mul3A_206 = arith.muli %get3A_203, %mul3A_205 : vector<16xi32>
      %add3A_207 = arith.addi %mul3A_200, %mul3A_206 : vector<16xi32>
      %get3A_208 = arith.index_cast %mul3A_194 : i32 to index
      %get3A_209 = tpu.vector_load %arg15[%get3A_208] {strides = array<i32>} : memref<5008xi32, #tpu.memory_space<vmem>>, vector<16xi32>,
      %get3A_210 = vector.shape_cast %get3A_209 : vector<16xi32> to vector<16xi32>
      %add3A_211 = arith.addi %add3A_207, %get3A_210 : vector<16xi32>
      %max3A = arith.constant 0 : i32
      %max3A_212 = vector.broadcast %max3A : i32 to vector<16xi32>
      %max3A_213 = arith.maxsi %add3A_211, %max3A_212 : vector<16xi32>
      %min3A = arith.constant 59 : i32
      %min3A_214 = vector.broadcast %min3A : i32 to vector<16xi32>
      %min3A_215 = arith.minsi %max3A_213, %min3A_214 : vector<16xi32>
      %swap3A = arith.index_cast %mul3A_194 : i32 to index
      %swap3A_216 = tpu.vector_load %arg16[%swap3A] {strides = array<i32>} : memref<5008xi32, #tpu.memory_space<vmem>>, vector<16xi32>,
      %swap3A_217 = vector.shape_cast %swap3A_216 : vector<16xi32> to vector<16xi32>
      %swap3A_218 = vector.shape_cast %min3A_215 : vector<16xi32> to vector<16xi32>
      tpu.vector_store %arg16[%swap3A], %swap3A_218 {strides = array<i32>} : memref<5008xi32, #tpu.memory_space<vmem>>, vector<16xi32>,
    }
    %scan3A_51 = arith.constant 313 : i32
    %scan3A_52 = arith.constant 0 : i32
    %scan3A_53 = arith.constant 312 : i32
    %scan3A_54 = arith.addi %scan3A_52, %scan3A_53 : i32
    %scan3A_55 = arith.constant 1 : i32
    scf.for %scan3A_192 = %scan3A_52 to %scan3A_54 step %scan3A_55  : i32 {
      %mul3A_193 = arith.constant 16 : i32
      %mul3A_194 = arith.muli %scan3A_192, %mul3A_193 : i32
      %get3A_195 = arith.index_cast %mul3A_194 : i32 to index
      %get3A_196 = tpu.vector_load %arg16[%get3A_195] {strides = array<i32>} : memref<5008xi32, #tpu.memory_space<vmem>>, vector<16xi32>,
      %get3A_197 = vector.shape_cast %get3A_196 : vector<16xi32> to vector<16xi32>
      %mul3A_198 = arith.constant 16 : i32
      %mul3A_199 = arith.muli %scan3A_192, %mul3A_198 : i32
      %add3A_200 = arith.addi %mul3A_2, %mul3A_199 : i32
      %slice3A_201 = vector.extract_strided_slice %get3A_197 {offsets = [0], sizes = [1], strides = [1]} : vector<16xi32> to vector<1xi32>
      %squeeze3A_202 = vector.extract %slice3A_201[0] : i32 from vector<1xi32>
      %add3A_203 = arith.constant 0 : i32
      %add3A_204 = arith.addi %add3A_200, %add3A_203 : i32
      %dma_start3A_205 = arith.constant 0 : i32
      %dma_start3A_206 = tpu.memref_slice %arg12[%squeeze3A_202, %dma_start3A_205] : memref<64x256xf32, #tpu.memory_space<vmem>> -> memref<1x256xf32, #tpu.memory_space<vmem>>
      %dma_start3A_207 = tpu.memref_squeeze %dma_start3A_206 : memref<1x256xf32, #tpu.memory_space<vmem>> -> memref<256xf32, #tpu.memory_space<vmem>>
      %dma_start3A_208 = arith.constant 0 : i32
      %dma_start3A_209 = tpu.memref_slice %arg8[%add3A_204, %dma_start3A_208] : memref<160000x256xf32, #tpu.memory_space<hbm>> -> memref<1x256xf32, #tpu.memory_space<hbm>>
      %dma_start3A_210 = tpu.memref_squeeze %dma_start3A_209 : memref<1x256xf32, #tpu.memory_space<hbm>> -> memref<256xf32, #tpu.memory_space<hbm>>
      %dma_start3A_211 = arith.constant 0 : i32
      %dma_start3A_212 = tpu.memref_slice %arg8[%add3A_204, %dma_start3A_211] : memref<160000x256xf32, #tpu.memory_space<hbm>> -> memref<1x256xf32, #tpu.memory_space<hbm>>
      %dma_start3A_213 = tpu.memref_squeeze %dma_start3A_212 : memref<1x256xf32, #tpu.memory_space<hbm>> -> memref<256xf32, #tpu.memory_space<hbm>>
      %dma_start3A_214 = arith.constant 0 : i32
      %dma_start3A_215 = tpu.memref_slice %arg12[%squeeze3A_202, %dma_start3A_214] : memref<64x256xf32, #tpu.memory_space<vmem>> -> memref<1x256xf32, #tpu.memory_space<vmem>>
      %dma_start3A_216 = tpu.memref_squeeze %dma_start3A_215 : memref<1x256xf32, #tpu.memory_space<vmem>> -> memref<256xf32, #tpu.memory_space<vmem>>
      tpu.enqueue_dma source(%dma_start3A_216 : memref<256xf32, #tpu.memory_space<vmem>>) target(%dma_start3A_213 : memref<256xf32, #tpu.memory_space<hbm>>) target_semaphore(%arg18 : memref<!tpu.dma_semaphore, #tpu.memory_space<semaphore_mem>>)
      %slice3A_217 = vector.extract_strided_slice %get3A_197 {offsets = [1], sizes = [1], strides = [1]} : vector<16xi32> to vector<1xi32>
      %squeeze3A_218 = vector.extract %slice3A_217[0] : i32 from vector<1xi32>
      %add3A_219 = arith.constant 1 : i32
      %add3A_220 = arith.addi %add3A_200, %add3A_219 : i32
      %dma_start3A_221 = arith.constant 0 : i32
      %dma_start3A_222 = tpu.memref_slice %arg12[%squeeze3A_218, %dma_start3A_221] : memref<64x256xf32, #tpu.memory_space<vmem>> -> memref<1x256xf32, #tpu.memory_space<vmem>>
      %dma_start3A_223 = tpu.memref_squeeze %dma_start3A_222 : memref<1x256xf32, #tpu.memory_space<vmem>> -> memref<256xf32, #tpu.memory_space<vmem>>
      %dma_start3A_224 = arith.constant 0 : i32
      %dma_start3A_225 = tpu.memref_slice %arg8[%add3A_220, %dma_start3A_224] : memref<160000x256xf32, #tpu.memory_space<hbm>> -> memref<1x256xf32, #tpu.memory_space<hbm>>
      %dma_start3A_226 = tpu.memref_squeeze %dma_start3A_225 : memref<1x256xf32, #tpu.memory_space<hbm>> -> memref<256xf32, #tpu.memory_space<hbm>>
      %dma_start3A_227 = arith.constant 0 : i32
      %dma_start3A_228 = tpu.memref_slice %arg8[%add3A_220, %dma_start3A_227] : memref<160000x256xf32, #tpu.memory_space<hbm>> -> memref<1x256xf32, #tpu.memory_space<hbm>>
      %dma_start3A_229 = tpu.memref_squeeze %dma_start3A_228 : memref<1x256xf32, #tpu.memory_space<hbm>> -> memref<256xf32, #tpu.memory_space<hbm>>
      %dma_start3A_230 = arith.constant 0 : i32
      %dma_start3A_231 = tpu.memref_slice %arg12[%squeeze3A_218, %dma_start3A_230] : memref<64x256xf32, #tpu.memory_space<vmem>> -> memref<1x256xf32, #tpu.memory_space<vmem>>
      %dma_start3A_232 = tpu.memref_squeeze %dma_start3A_231 : memref<1x256xf32, #tpu.memory_space<vmem>> -> memref<256xf32, #tpu.memory_space<vmem>>
      tpu.enqueue_dma source(%dma_start3A_232 : memref<256xf32, #tpu.memory_space<vmem>>) target(%dma_start3A_229 : memref<256xf32, #tpu.memory_space<hbm>>) target_semaphore(%arg18 : memref<!tpu.dma_semaphore, #tpu.memory_space<semaphore_mem>>)
      %slice3A_233 = vector.extract_strided_slice %get3A_197 {offsets = [2], sizes = [1], strides = [1]} : vector<16xi32> to vector<1xi32>
      %squeeze3A_234 = vector.extract %slice3A_233[0] : i32 from vector<1xi32>
      %add3A_235 = arith.constant 2 : i32
      %add3A_236 = arith.addi %add3A_200, %add3A_235 : i32
      %dma_start3A_237 = arith.constant 0 : i32
      %dma_start3A_238 = tpu.memref_slice %arg12[%squeeze3A_234, %dma_start3A_237] : memref<64x256xf32, #tpu.memory_space<vmem>> -> memref<1x256xf32, #tpu.memory_space<vmem>>
      %dma_start3A_239 = tpu.memref_squeeze %dma_start3A_238 : memref<1x256xf32, #tpu.memory_space<vmem>> -> memref<256xf32, #tpu.memory_space<vmem>>
      %dma_start3A_240 = arith.constant 0 : i32
      %dma_start3A_241 = tpu.memref_slice %arg8[%add3A_236, %dma_start3A_240] : memref<160000x256xf32, #tpu.memory_space<hbm>> -> memref<1x256xf32, #tpu.memory_space<hbm>>
      %dma_start3A_242 = tpu.memref_squeeze %dma_start3A_241 : memref<1x256xf32, #tpu.memory_space<hbm>> -> memref<256xf32, #tpu.memory_space<hbm>>
      %dma_start3A_243 = arith.constant 0 : i32
      %dma_start3A_244 = tpu.memref_slice %arg8[%add3A_236, %dma_start3A_243] : memref<160000x256xf32, #tpu.memory_space<hbm>> -> memref<1x256xf32, #tpu.memory_space<hbm>>
      %dma_start3A_245 = tpu.memref_squeeze %dma_start3A_244 : memref<1x256xf32, #tpu.memory_space<hbm>> -> memref<256xf32, #tpu.memory_space<hbm>>
      %dma_start3A_246 = arith.constant 0 : i32
      %dma_start3A_247 = tpu.memref_slice %arg12[%squeeze3A_234, %dma_start3A_246] : memref<64x256xf32, #tpu.memory_space<vmem>> -> memref<1x256xf32, #tpu.memory_space<vmem>>
      %dma_start3A_248 = tpu.memref_squeeze %dma_start3A_247 : memref<1x256xf32, #tpu.memory_space<vmem>> -> memref<256xf32, #tpu.memory_space<vmem>>
      tpu.enqueue_dma source(%dma_start3A_248 : memref<256xf32, #tpu.memory_space<vmem>>) target(%dma_start3A_245 : memref<256xf32, #tpu.memory_space<hbm>>) target_semaphore(%arg18 : memref<!tpu.dma_semaphore, #tpu.memory_space<semaphore_mem>>)
      %slice3A_249 = vector.extract_strided_slice %get3A_197 {offsets = [3], sizes = [1], strides = [1]} : vector<16xi32> to vector<1xi32>
      %squeeze3A_250 = vector.extract %slice3A_249[0] : i32 from vector<1xi32>
      %add3A_251 = arith.constant 3 : i32
      %add3A_252 = arith.addi %add3A_200, %add3A_251 : i32
      %dma_start3A_253 = arith.constant 0 : i32
      %dma_start3A_254 = tpu.memref_slice %arg12[%squeeze3A_250, %dma_start3A_253] : memref<64x256xf32, #tpu.memory_space<vmem>> -> memref<1x256xf32, #tpu.memory_space<vmem>>
      %dma_start3A_255 = tpu.memref_squeeze %dma_start3A_254 : memref<1x256xf32, #tpu.memory_space<vmem>> -> memref<256xf32, #tpu.memory_space<vmem>>
      %dma_start3A_256 = arith.constant 0 : i32
      %dma_start3A_257 = tpu.memref_slice %arg8[%add3A_252, %dma_start3A_256] : memref<160000x256xf32, #tpu.memory_space<hbm>> -> memref<1x256xf32, #tpu.memory_space<hbm>>
      %dma_start3A_258 = tpu.memref_squeeze %dma_start3A_257 : memref<1x256xf32, #tpu.memory_space<hbm>> -> memref<256xf32, #tpu.memory_space<hbm>>
      %dma_start3A_259 = arith.constant 0 : i32
      %dma_start3A_260 = tpu.memref_slice %arg8[%add3A_252, %dma_start3A_259] : memref<160000x256xf32, #tpu.memory_space<hbm>> -> memref<1x256xf32, #tpu.memory_space<hbm>>
      %dma_start3A_261 = tpu.memref_squeeze %dma_start3A_260 : memref<1x256xf32, #tpu.memory_space<hbm>> -> memref<256xf32, #tpu.memory_space<hbm>>
      %dma_start3A_262 = arith.constant 0 : i32
      %dma_start3A_263 = tpu.memref_slice %arg12[%squeeze3A_250, %dma_start3A_262] : memref<64x256xf32, #tpu.memory_space<vmem>> -> memref<1x256xf32, #tpu.memory_space<vmem>>
      %dma_start3A_264 = tpu.memref_squeeze %dma_start3A_263 : memref<1x256xf32, #tpu.memory_space<vmem>> -> memref<256xf32, #tpu.memory_space<vmem>>
      tpu.enqueue_dma source(%dma_start3A_264 : memref<256xf32, #tpu.memory_space<vmem>>) target(%dma_start3A_261 : memref<256xf32, #tpu.memory_space<hbm>>) target_semaphore(%arg18 : memref<!tpu.dma_semaphore, #tpu.memory_space<semaphore_mem>>)
      %slice3A_265 = vector.extract_strided_slice %get3A_197 {offsets = [4], sizes = [1], strides = [1]} : vector<16xi32> to vector<1xi32>
      %squeeze3A_266 = vector.extract %slice3A_265[0] : i32 from vector<1xi32>
      %add3A_267 = arith.constant 4 : i32
      %add3A_268 = arith.addi %add3A_200, %add3A_267 : i32
      %dma_start3A_269 = arith.constant 0 : i32
      %dma_start3A_270 = tpu.memref_slice %arg12[%squeeze3A_266, %dma_start3A_269] : memref<64x256xf32, #tpu.memory_space<vmem>> -> memref<1x256xf32, #tpu.memory_space<vmem>>
      %dma_start3A_271 = tpu.memref_squeeze %dma_start3A_270 : memref<1x256xf32, #tpu.memory_space<vmem>> -> memref<256xf32, #tpu.memory_space<vmem>>
      %dma_start3A_272 = arith.constant 0 : i32
      %dma_start3A_273 = tpu.memref_slice %arg8[%add3A_268, %dma_start3A_272] : memref<160000x256xf32, #tpu.memory_space<hbm>> -> memref<1x256xf32, #tpu.memory_space<hbm>>
      %dma_start3A_274 = tpu.memref_squeeze %dma_start3A_273 : memref<1x256xf32, #tpu.memory_space<hbm>> -> memref<256xf32, #tpu.memory_space<hbm>>
      %dma_start3A_275 = arith.constant 0 : i32
      %dma_start3A_276 = tpu.memref_slice %arg8[%add3A_268, %dma_start3A_275] : memref<160000x256xf32, #tpu.memory_space<hbm>> -> memref<1x256xf32, #tpu.memory_space<hbm>>
      %dma_start3A_277 = tpu.memref_squeeze %dma_start3A_276 : memref<1x256xf32, #tpu.memory_space<hbm>> -> memref<256xf32, #tpu.memory_space<hbm>>
      %dma_start3A_278 = arith.constant 0 : i32
      %dma_start3A_279 = tpu.memref_slice %arg12[%squeeze3A_266, %dma_start3A_278] : memref<64x256xf32, #tpu.memory_space<vmem>> -> memref<1x256xf32, #tpu.memory_space<vmem>>
      %dma_start3A_280 = tpu.memref_squeeze %dma_start3A_279 : memref<1x256xf32, #tpu.memory_space<vmem>> -> memref<256xf32, #tpu.memory_space<vmem>>
      tpu.enqueue_dma source(%dma_start3A_280 : memref<256xf32, #tpu.memory_space<vmem>>) target(%dma_start3A_277 : memref<256xf32, #tpu.memory_space<hbm>>) target_semaphore(%arg18 : memref<!tpu.dma_semaphore, #tpu.memory_space<semaphore_mem>>)
      %slice3A_281 = vector.extract_strided_slice %get3A_197 {offsets = [5], sizes = [1], strides = [1]} : vector<16xi32> to vector<1xi32>
      %squeeze3A_282 = vector.extract %slice3A_281[0] : i32 from vector<1xi32>
      %add3A_283 = arith.constant 5 : i32
      %add3A_284 = arith.addi %add3A_200, %add3A_283 : i32
      %dma_start3A_285 = arith.constant 0 : i32
      %dma_start3A_286 = tpu.memref_slice %arg12[%squeeze3A_282, %dma_start3A_285] : memref<64x256xf32, #tpu.memory_space<vmem>> -> memref<1x256xf32, #tpu.memory_space<vmem>>
      %dma_start3A_287 = tpu.memref_squeeze %dma_start3A_286 : memref<1x256xf32, #tpu.memory_space<vmem>> -> memref<256xf32, #tpu.memory_space<vmem>>
      %dma_start3A_288 = arith.constant 0 : i32
      %dma_start3A_289 = tpu.memref_slice %arg8[%add3A_284, %dma_start3A_288] : memref<160000x256xf32, #tpu.memory_space<hbm>> -> memref<1x256xf32, #tpu.memory_space<hbm>>
      %dma_start3A_290 = tpu.memref_squeeze %dma_start3A_289 : memref<1x256xf32, #tpu.memory_space<hbm>> -> memref<256xf32, #tpu.memory_space<hbm>>
      %dma_start3A_291 = arith.constant 0 : i32
      %dma_start3A_292 = tpu.memref_slice %arg8[%add3A_284, %dma_start3A_291] : memref<160000x256xf32, #tpu.memory_space<hbm>> -> memref<1x256xf32, #tpu.memory_space<hbm>>
      %dma_start3A_293 = tpu.memref_squeeze %dma_start3A_292 : memref<1x256xf32, #tpu.memory_space<hbm>> -> memref<256xf32, #tpu.memory_space<hbm>>
      %dma_start3A_294 = arith.constant 0 : i32
      %dma_start3A_295 = tpu.memref_slice %arg12[%squeeze3A_282, %dma_start3A_294] : memref<64x256xf32, #tpu.memory_space<vmem>> -> memref<1x256xf32, #tpu.memory_space<vmem>>
      %dma_start3A_296 = tpu.memref_squeeze %dma_start3A_295 : memref<1x256xf32, #tpu.memory_space<vmem>> -> memref<256xf32, #tpu.memory_space<vmem>>
      tpu.enqueue_dma source(%dma_start3A_296 : memref<256xf32, #tpu.memory_space<vmem>>) target(%dma_start3A_293 : memref<256xf32, #tpu.memory_space<hbm>>) target_semaphore(%arg18 : memref<!tpu.dma_semaphore, #tpu.memory_space<semaphore_mem>>)
      %slice3A_297 = vector.extract_strided_slice %get3A_197 {offsets = [6], sizes = [1], strides = [1]} : vector<16xi32> to vector<1xi32>
      %squeeze3A_298 = vector.extract %slice3A_297[0] : i32 from vector<1xi32>
      %add3A_299 = arith.constant 6 : i32
      %add3A_300 = arith.addi %add3A_200, %add3A_299 : i32
      %dma_start3A_301 = arith.constant 0 : i32
      %dma_start3A_302 = tpu.memref_slice %arg12[%squeeze3A_298, %dma_start3A_301] : memref<64x256xf32, #tpu.memory_space<vmem>> -> memref<1x256xf32, #tpu.memory_space<vmem>>
      %dma_start3A_303 = tpu.memref_squeeze %dma_start3A_302 : memref<1x256xf32, #tpu.memory_space<vmem>> -> memref<256xf32, #tpu.memory_space<vmem>>
      %dma_start3A_304 = arith.constant 0 : i32
      %dma_start3A_305 = tpu.memref_slice %arg8[%add3A_300, %dma_start3A_304] : memref<160000x256xf32, #tpu.memory_space<hbm>> -> memref<1x256xf32, #tpu.memory_space<hbm>>
      %dma_start3A_306 = tpu.memref_squeeze %dma_start3A_305 : memref<1x256xf32, #tpu.memory_space<hbm>> -> memref<256xf32, #tpu.memory_space<hbm>>
      %dma_start3A_307 = arith.constant 0 : i32
      %dma_start3A_308 = tpu.memref_slice %arg8[%add3A_300, %dma_start3A_307] : memref<160000x256xf32, #tpu.memory_space<hbm>> -> memref<1x256xf32, #tpu.memory_space<hbm>>
      %dma_start3A_309 = tpu.memref_squeeze %dma_start3A_308 : memref<1x256xf32, #tpu.memory_space<hbm>> -> memref<256xf32, #tpu.memory_space<hbm>>
      %dma_start3A_310 = arith.constant 0 : i32
      %dma_start3A_311 = tpu.memref_slice %arg12[%squeeze3A_298, %dma_start3A_310] : memref<64x256xf32, #tpu.memory_space<vmem>> -> memref<1x256xf32, #tpu.memory_space<vmem>>
      %dma_start3A_312 = tpu.memref_squeeze %dma_start3A_311 : memref<1x256xf32, #tpu.memory_space<vmem>> -> memref<256xf32, #tpu.memory_space<vmem>>
      tpu.enqueue_dma source(%dma_start3A_312 : memref<256xf32, #tpu.memory_space<vmem>>) target(%dma_start3A_309 : memref<256xf32, #tpu.memory_space<hbm>>) target_semaphore(%arg18 : memref<!tpu.dma_semaphore, #tpu.memory_space<semaphore_mem>>)
      %slice3A_313 = vector.extract_strided_slice %get3A_197 {offsets = [7], sizes = [1], strides = [1]} : vector<16xi32> to vector<1xi32>
      %squeeze3A_314 = vector.extract %slice3A_313[0] : i32 from vector<1xi32>
      %add3A_315 = arith.constant 7 : i32
      %add3A_316 = arith.addi %add3A_200, %add3A_315 : i32
      %dma_start3A_317 = arith.constant 0 : i32
      %dma_start3A_318 = tpu.memref_slice %arg12[%squeeze3A_314, %dma_start3A_317] : memref<64x256xf32, #tpu.memory_space<vmem>> -> memref<1x256xf32, #tpu.memory_space<vmem>>
      %dma_start3A_319 = tpu.memref_squeeze %dma_start3A_318 : memref<1x256xf32, #tpu.memory_space<vmem>> -> memref<256xf32, #tpu.memory_space<vmem>>
      %dma_start3A_320 = arith.constant 0 : i32
      %dma_start3A_321 = tpu.memref_slice %arg8[%add3A_316, %dma_start3A_320] : memref<160000x256xf32, #tpu.memory_space<hbm>> -> memref<1x256xf32, #tpu.memory_space<hbm>>
      %dma_start3A_322 = tpu.memref_squeeze %dma_start3A_321 : memref<1x256xf32, #tpu.memory_space<hbm>> -> memref<256xf32, #tpu.memory_space<hbm>>
      %dma_start3A_323 = arith.constant 0 : i32
      %dma_start3A_324 = tpu.memref_slice %arg8[%add3A_316, %dma_start3A_323] : memref<160000x256xf32, #tpu.memory_space<hbm>> -> memref<1x256xf32, #tpu.memory_space<hbm>>
      %dma_start3A_325 = tpu.memref_squeeze %dma_start3A_324 : memref<1x256xf32, #tpu.memory_space<hbm>> -> memref<256xf32, #tpu.memory_space<hbm>>
      %dma_start3A_326 = arith.constant 0 : i32
      %dma_start3A_327 = tpu.memref_slice %arg12[%squeeze3A_314, %dma_start3A_326] : memref<64x256xf32, #tpu.memory_space<vmem>> -> memref<1x256xf32, #tpu.memory_space<vmem>>
      %dma_start3A_328 = tpu.memref_squeeze %dma_start3A_327 : memref<1x256xf32, #tpu.memory_space<vmem>> -> memref<256xf32, #tpu.memory_space<vmem>>
      tpu.enqueue_dma source(%dma_start3A_328 : memref<256xf32, #tpu.memory_space<vmem>>) target(%dma_start3A_325 : memref<256xf32, #tpu.memory_space<hbm>>) target_semaphore(%arg18 : memref<!tpu.dma_semaphore, #tpu.memory_space<semaphore_mem>>)
      %slice3A_329 = vector.extract_strided_slice %get3A_197 {offsets = [8], sizes = [1], strides = [1]} : vector<16xi32> to vector<1xi32>
      %squeeze3A_330 = vector.extract %slice3A_329[0] : i32 from vector<1xi32>
      %add3A_331 = arith.constant 8 : i32
      %add3A_332 = arith.addi %add3A_200, %add3A_331 : i32
      %dma_start3A_333 = arith.constant 0 : i32
      %dma_start3A_334 = tpu.memref_slice %arg12[%squeeze3A_330, %dma_start3A_333] : memref<64x256xf32, #tpu.memory_space<vmem>> -> memref<1x256xf32, #tpu.memory_space<vmem>>
      %dma_start3A_335 = tpu.memref_squeeze %dma_start3A_334 : memref<1x256xf32, #tpu.memory_space<vmem>> -> memref<256xf32, #tpu.memory_space<vmem>>
      %dma_start3A_336 = arith.constant 0 : i32
      %dma_start3A_337 = tpu.memref_slice %arg8[%add3A_332, %dma_start3A_336] : memref<160000x256xf32, #tpu.memory_space<hbm>> -> memref<1x256xf32, #tpu.memory_space<hbm>>
      %dma_start3A_338 = tpu.memref_squeeze %dma_start3A_337 : memref<1x256xf32, #tpu.memory_space<hbm>> -> memref<256xf32, #tpu.memory_space<hbm>>
      %dma_start3A_339 = arith.constant 0 : i32
      %dma_start3A_340 = tpu.memref_slice %arg8[%add3A_332, %dma_start3A_339] : memref<160000x256xf32, #tpu.memory_space<hbm>> -> memref<1x256xf32, #tpu.memory_space<hbm>>
      %dma_start3A_341 = tpu.memref_squeeze %dma_start3A_340 : memref<1x256xf32, #tpu.memory_space<hbm>> -> memref<256xf32, #tpu.memory_space<hbm>>
      %dma_start3A_342 = arith.constant 0 : i32
      %dma_start3A_343 = tpu.memref_slice %arg12[%squeeze3A_330, %dma_start3A_342] : memref<64x256xf32, #tpu.memory_space<vmem>> -> memref<1x256xf32, #tpu.memory_space<vmem>>
      %dma_start3A_344 = tpu.memref_squeeze %dma_start3A_343 : memref<1x256xf32, #tpu.memory_space<vmem>> -> memref<256xf32, #tpu.memory_space<vmem>>
      tpu.enqueue_dma source(%dma_start3A_344 : memref<256xf32, #tpu.memory_space<vmem>>) target(%dma_start3A_341 : memref<256xf32, #tpu.memory_space<hbm>>) target_semaphore(%arg18 : memref<!tpu.dma_semaphore, #tpu.memory_space<semaphore_mem>>)
      %slice3A_345 = vector.extract_strided_slice %get3A_197 {offsets = [9], sizes = [1], strides = [1]} : vector<16xi32> to vector<1xi32>
      %squeeze3A_346 = vector.extract %slice3A_345[0] : i32 from vector<1xi32>
      %add3A_347 = arith.constant 9 : i32
      %add3A_348 = arith.addi %add3A_200, %add3A_347 : i32
      %dma_start3A_349 = arith.constant 0 : i32
      %dma_start3A_350 = tpu.memref_slice %arg12[%squeeze3A_346, %dma_start3A_349] : memref<64x256xf32, #tpu.memory_space<vmem>> -> memref<1x256xf32, #tpu.memory_space<vmem>>
      %dma_start3A_351 = tpu.memref_squeeze %dma_start3A_350 : memref<1x256xf32, #tpu.memory_space<vmem>> -> memref<256xf32, #tpu.memory_space<vmem>>
      %dma_start3A_352 = arith.constant 0 : i32
      %dma_start3A_353 = tpu.memref_slice %arg8[%add3A_348, %dma_start3A_352] : memref<160000x256xf32, #tpu.memory_space<hbm>> -> memref<1x256xf32, #tpu.memory_space<hbm>>
      %dma_start3A_354 = tpu.memref_squeeze %dma_start3A_353 : memref<1x256xf32, #tpu.memory_space<hbm>> -> memref<256xf32, #tpu.memory_space<hbm>>
      %dma_start3A_355 = arith.constant 0 : i32
      %dma_start3A_356 = tpu.memref_slice %arg8[%add3A_348, %dma_start3A_355] : memref<160000x256xf32, #tpu.memory_space<hbm>> -> memref<1x256xf32, #tpu.memory_space<hbm>>
      %dma_start3A_357 = tpu.memref_squeeze %dma_start3A_356 : memref<1x256xf32, #tpu.memory_space<hbm>> -> memref<256xf32, #tpu.memory_space<hbm>>
      %dma_start3A_358 = arith.constant 0 : i32
      %dma_start3A_359 = tpu.memref_slice %arg12[%squeeze3A_346, %dma_start3A_358] : memref<64x256xf32, #tpu.memory_space<vmem>> -> memref<1x256xf32, #tpu.memory_space<vmem>>
      %dma_start3A_360 = tpu.memref_squeeze %dma_start3A_359 : memref<1x256xf32, #tpu.memory_space<vmem>> -> memref<256xf32, #tpu.memory_space<vmem>>
      tpu.enqueue_dma source(%dma_start3A_360 : memref<256xf32, #tpu.memory_space<vmem>>) target(%dma_start3A_357 : memref<256xf32, #tpu.memory_space<hbm>>) target_semaphore(%arg18 : memref<!tpu.dma_semaphore, #tpu.memory_space<semaphore_mem>>)
      %slice3A_361 = vector.extract_strided_slice %get3A_197 {offsets = [10], sizes = [1], strides = [1]} : vector<16xi32> to vector<1xi32>
      %squeeze3A_362 = vector.extract %slice3A_361[0] : i32 from vector<1xi32>
      %add3A_363 = arith.constant 10 : i32
      %add3A_364 = arith.addi %add3A_200, %add3A_363 : i32
      %dma_start3A_365 = arith.constant 0 : i32
      %dma_start3A_366 = tpu.memref_slice %arg12[%squeeze3A_362, %dma_start3A_365] : memref<64x256xf32, #tpu.memory_space<vmem>> -> memref<1x256xf32, #tpu.memory_space<vmem>>
      %dma_start3A_367 = tpu.memref_squeeze %dma_start3A_366 : memref<1x256xf32, #tpu.memory_space<vmem>> -> memref<256xf32, #tpu.memory_space<vmem>>
      %dma_start3A_368 = arith.constant 0 : i32
      %dma_start3A_369 = tpu.memref_slice %arg8[%add3A_364, %dma_start3A_368] : memref<160000x256xf32, #tpu.memory_space<hbm>> -> memref<1x256xf32, #tpu.memory_space<hbm>>
      %dma_start3A_370 = tpu.memref_squeeze %dma_start3A_369 : memref<1x256xf32, #tpu.memory_space<hbm>> -> memref<256xf32, #tpu.memory_space<hbm>>
      %dma_start3A_371 = arith.constant 0 : i32
      %dma_start3A_372 = tpu.memref_slice %arg8[%add3A_364, %dma_start3A_371] : memref<160000x256xf32, #tpu.memory_space<hbm>> -> memref<1x256xf32, #tpu.memory_space<hbm>>
      %dma_start3A_373 = tpu.memref_squeeze %dma_start3A_372 : memref<1x256xf32, #tpu.memory_space<hbm>> -> memref<256xf32, #tpu.memory_space<hbm>>
      %dma_start3A_374 = arith.constant 0 : i32
      %dma_start3A_375 = tpu.memref_slice %arg12[%squeeze3A_362, %dma_start3A_374] : memref<64x256xf32, #tpu.memory_space<vmem>> -> memref<1x256xf32, #tpu.memory_space<vmem>>
      %dma_start3A_376 = tpu.memref_squeeze %dma_start3A_375 : memref<1x256xf32, #tpu.memory_space<vmem>> -> memref<256xf32, #tpu.memory_space<vmem>>
      tpu.enqueue_dma source(%dma_start3A_376 : memref<256xf32, #tpu.memory_space<vmem>>) target(%dma_start3A_373 : memref<256xf32, #tpu.memory_space<hbm>>) target_semaphore(%arg18 : memref<!tpu.dma_semaphore, #tpu.memory_space<semaphore_mem>>)
      %slice3A_377 = vector.extract_strided_slice %get3A_197 {offsets = [11], sizes = [1], strides = [1]} : vector<16xi32> to vector<1xi32>
      %squeeze3A_378 = vector.extract %slice3A_377[0] : i32 from vector<1xi32>
      %add3A_379 = arith.constant 11 : i32
      %add3A_380 = arith.addi %add3A_200, %add3A_379 : i32
      %dma_start3A_381 = arith.constant 0 : i32
      %dma_start3A_382 = tpu.memref_slice %arg12[%squeeze3A_378, %dma_start3A_381] : memref<64x256xf32, #tpu.memory_space<vmem>> -> memref<1x256xf32, #tpu.memory_space<vmem>>
      %dma_start3A_383 = tpu.memref_squeeze %dma_start3A_382 : memref<1x256xf32, #tpu.memory_space<vmem>> -> memref<256xf32, #tpu.memory_space<vmem>>
      %dma_start3A_384 = arith.constant 0 : i32
      %dma_start3A_385 = tpu.memref_slice %arg8[%add3A_380, %dma_start3A_384] : memref<160000x256xf32, #tpu.memory_space<hbm>> -> memref<1x256xf32, #tpu.memory_space<hbm>>
      %dma_start3A_386 = tpu.memref_squeeze %dma_start3A_385 : memref<1x256xf32, #tpu.memory_space<hbm>> -> memref<256xf32, #tpu.memory_space<hbm>>
      %dma_start3A_387 = arith.constant 0 : i32
      %dma_start3A_388 = tpu.memref_slice %arg8[%add3A_380, %dma_start3A_387] : memref<160000x256xf32, #tpu.memory_space<hbm>> -> memref<1x256xf32, #tpu.memory_space<hbm>>
      %dma_start3A_389 = tpu.memref_squeeze %dma_start3A_388 : memref<1x256xf32, #tpu.memory_space<hbm>> -> memref<256xf32, #tpu.memory_space<hbm>>
      %dma_start3A_390 = arith.constant 0 : i32
      %dma_start3A_391 = tpu.memref_slice %arg12[%squeeze3A_378, %dma_start3A_390] : memref<64x256xf32, #tpu.memory_space<vmem>> -> memref<1x256xf32, #tpu.memory_space<vmem>>
      %dma_start3A_392 = tpu.memref_squeeze %dma_start3A_391 : memref<1x256xf32, #tpu.memory_space<vmem>> -> memref<256xf32, #tpu.memory_space<vmem>>
      tpu.enqueue_dma source(%dma_start3A_392 : memref<256xf32, #tpu.memory_space<vmem>>) target(%dma_start3A_389 : memref<256xf32, #tpu.memory_space<hbm>>) target_semaphore(%arg18 : memref<!tpu.dma_semaphore, #tpu.memory_space<semaphore_mem>>)
      %slice3A_393 = vector.extract_strided_slice %get3A_197 {offsets = [12], sizes = [1], strides = [1]} : vector<16xi32> to vector<1xi32>
      %squeeze3A_394 = vector.extract %slice3A_393[0] : i32 from vector<1xi32>
      %add3A_395 = arith.constant 12 : i32
      %add3A_396 = arith.addi %add3A_200, %add3A_395 : i32
      %dma_start3A_397 = arith.constant 0 : i32
      %dma_start3A_398 = tpu.memref_slice %arg12[%squeeze3A_394, %dma_start3A_397] : memref<64x256xf32, #tpu.memory_space<vmem>> -> memref<1x256xf32, #tpu.memory_space<vmem>>
      %dma_start3A_399 = tpu.memref_squeeze %dma_start3A_398 : memref<1x256xf32, #tpu.memory_space<vmem>> -> memref<256xf32, #tpu.memory_space<vmem>>
      %dma_start3A_400 = arith.constant 0 : i32
      %dma_start3A_401 = tpu.memref_slice %arg8[%add3A_396, %dma_start3A_400] : memref<160000x256xf32, #tpu.memory_space<hbm>> -> memref<1x256xf32, #tpu.memory_space<hbm>>
      %dma_start3A_402 = tpu.memref_squeeze %dma_start3A_401 : memref<1x256xf32, #tpu.memory_space<hbm>> -> memref<256xf32, #tpu.memory_space<hbm>>
      %dma_start3A_403 = arith.constant 0 : i32
      %dma_start3A_404 = tpu.memref_slice %arg8[%add3A_396, %dma_start3A_403] : memref<160000x256xf32, #tpu.memory_space<hbm>> -> memref<1x256xf32, #tpu.memory_space<hbm>>
      %dma_start3A_405 = tpu.memref_squeeze %dma_start3A_404 : memref<1x256xf32, #tpu.memory_space<hbm>> -> memref<256xf32, #tpu.memory_space<hbm>>
      %dma_start3A_406 = arith.constant 0 : i32
      %dma_start3A_407 = tpu.memref_slice %arg12[%squeeze3A_394, %dma_start3A_406] : memref<64x256xf32, #tpu.memory_space<vmem>> -> memref<1x256xf32, #tpu.memory_space<vmem>>
      %dma_start3A_408 = tpu.memref_squeeze %dma_start3A_407 : memref<1x256xf32, #tpu.memory_space<vmem>> -> memref<256xf32, #tpu.memory_space<vmem>>
      tpu.enqueue_dma source(%dma_start3A_408 : memref<256xf32, #tpu.memory_space<vmem>>) target(%dma_start3A_405 : memref<256xf32, #tpu.memory_space<hbm>>) target_semaphore(%arg18 : memref<!tpu.dma_semaphore, #tpu.memory_space<semaphore_mem>>)
      %slice3A_409 = vector.extract_strided_slice %get3A_197 {offsets = [13], sizes = [1], strides = [1]} : vector<16xi32> to vector<1xi32>
      %squeeze3A_410 = vector.extract %slice3A_409[0] : i32 from vector<1xi32>
      %add3A_411 = arith.constant 13 : i32
      %add3A_412 = arith.addi %add3A_200, %add3A_411 : i32
      %dma_start3A_413 = arith.constant 0 : i32
      %dma_start3A_414 = tpu.memref_slice %arg12[%squeeze3A_410, %dma_start3A_413] : memref<64x256xf32, #tpu.memory_space<vmem>> -> memref<1x256xf32, #tpu.memory_space<vmem>>
      %dma_start3A_415 = tpu.memref_squeeze %dma_start3A_414 : memref<1x256xf32, #tpu.memory_space<vmem>> -> memref<256xf32, #tpu.memory_space<vmem>>
      %dma_start3A_416 = arith.constant 0 : i32
      %dma_start3A_417 = tpu.memref_slice %arg8[%add3A_412, %dma_start3A_416] : memref<160000x256xf32, #tpu.memory_space<hbm>> -> memref<1x256xf32, #tpu.memory_space<hbm>>
      %dma_start3A_418 = tpu.memref_squeeze %dma_start3A_417 : memref<1x256xf32, #tpu.memory_space<hbm>> -> memref<256xf32, #tpu.memory_space<hbm>>
      %dma_start3A_419 = arith.constant 0 : i32
      %dma_start3A_420 = tpu.memref_slice %arg8[%add3A_412, %dma_start3A_419] : memref<160000x256xf32, #tpu.memory_space<hbm>> -> memref<1x256xf32, #tpu.memory_space<hbm>>
      %dma_start3A_421 = tpu.memref_squeeze %dma_start3A_420 : memref<1x256xf32, #tpu.memory_space<hbm>> -> memref<256xf32, #tpu.memory_space<hbm>>
      %dma_start3A_422 = arith.constant 0 : i32
      %dma_start3A_423 = tpu.memref_slice %arg12[%squeeze3A_410, %dma_start3A_422] : memref<64x256xf32, #tpu.memory_space<vmem>> -> memref<1x256xf32, #tpu.memory_space<vmem>>
      %dma_start3A_424 = tpu.memref_squeeze %dma_start3A_423 : memref<1x256xf32, #tpu.memory_space<vmem>> -> memref<256xf32, #tpu.memory_space<vmem>>
      tpu.enqueue_dma source(%dma_start3A_424 : memref<256xf32, #tpu.memory_space<vmem>>) target(%dma_start3A_421 : memref<256xf32, #tpu.memory_space<hbm>>) target_semaphore(%arg18 : memref<!tpu.dma_semaphore, #tpu.memory_space<semaphore_mem>>)
      %slice3A_425 = vector.extract_strided_slice %get3A_197 {offsets = [14], sizes = [1], strides = [1]} : vector<16xi32> to vector<1xi32>
      %squeeze3A_426 = vector.extract %slice3A_425[0] : i32 from vector<1xi32>
      %add3A_427 = arith.constant 14 : i32
      %add3A_428 = arith.addi %add3A_200, %add3A_427 : i32
      %dma_start3A_429 = arith.constant 0 : i32
      %dma_start3A_430 = tpu.memref_slice %arg12[%squeeze3A_426, %dma_start3A_429] : memref<64x256xf32, #tpu.memory_space<vmem>> -> memref<1x256xf32, #tpu.memory_space<vmem>>
      %dma_start3A_431 = tpu.memref_squeeze %dma_start3A_430 : memref<1x256xf32, #tpu.memory_space<vmem>> -> memref<256xf32, #tpu.memory_space<vmem>>
      %dma_start3A_432 = arith.constant 0 : i32
      %dma_start3A_433 = tpu.memref_slice %arg8[%add3A_428, %dma_start3A_432] : memref<160000x256xf32, #tpu.memory_space<hbm>> -> memref<1x256xf32, #tpu.memory_space<hbm>>
      %dma_start3A_434 = tpu.memref_squeeze %dma_start3A_433 : memref<1x256xf32, #tpu.memory_space<hbm>> -> memref<256xf32, #tpu.memory_space<hbm>>
      %dma_start3A_435 = arith.constant 0 : i32
      %dma_start3A_436 = tpu.memref_slice %arg8[%add3A_428, %dma_start3A_435] : memref<160000x256xf32, #tpu.memory_space<hbm>> -> memref<1x256xf32, #tpu.memory_space<hbm>>
      %dma_start3A_437 = tpu.memref_squeeze %dma_start3A_436 : memref<1x256xf32, #tpu.memory_space<hbm>> -> memref<256xf32, #tpu.memory_space<hbm>>
      %dma_start3A_438 = arith.constant 0 : i32
      %dma_start3A_439 = tpu.memref_slice %arg12[%squeeze3A_426, %dma_start3A_438] : memref<64x256xf32, #tpu.memory_space<vmem>> -> memref<1x256xf32, #tpu.memory_space<vmem>>
      %dma_start3A_440 = tpu.memref_squeeze %dma_start3A_439 : memref<1x256xf32, #tpu.memory_space<vmem>> -> memref<256xf32, #tpu.memory_space<vmem>>
      tpu.enqueue_dma source(%dma_start3A_440 : memref<256xf32, #tpu.memory_space<vmem>>) target(%dma_start3A_437 : memref<256xf32, #tpu.memory_space<hbm>>) target_semaphore(%arg18 : memref<!tpu.dma_semaphore, #tpu.memory_space<semaphore_mem>>)
      %slice3A_441 = vector.extract_strided_slice %get3A_197 {offsets = [15], sizes = [1], strides = [1]} : vector<16xi32> to vector<1xi32>
      %squeeze3A_442 = vector.extract %slice3A_441[0] : i32 from vector<1xi32>
      %add3A_443 = arith.constant 15 : i32
      %add3A_444 = arith.addi %add3A_200, %add3A_443 : i32
      %dma_start3A_445 = arith.constant 0 : i32
      %dma_start3A_446 = tpu.memref_slice %arg12[%squeeze3A_442, %dma_start3A_445] : memref<64x256xf32, #tpu.memory_space<vmem>> -> memref<1x256xf32, #tpu.memory_space<vmem>>
      %dma_start3A_447 = tpu.memref_squeeze %dma_start3A_446 : memref<1x256xf32, #tpu.memory_space<vmem>> -> memref<256xf32, #tpu.memory_space<vmem>>
      %dma_start3A_448 = arith.constant 0 : i32
      %dma_start3A_449 = tpu.memref_slice %arg8[%add3A_444, %dma_start3A_448] : memref<160000x256xf32, #tpu.memory_space<hbm>> -> memref<1x256xf32, #tpu.memory_space<hbm>>
      %dma_start3A_450 = tpu.memref_squeeze %dma_start3A_449 : memref<1x256xf32, #tpu.memory_space<hbm>> -> memref<256xf32, #tpu.memory_space<hbm>>
      %dma_start3A_451 = arith.constant 0 : i32
      %dma_start3A_452 = tpu.memref_slice %arg8[%add3A_444, %dma_start3A_451] : memref<160000x256xf32, #tpu.memory_space<hbm>> -> memref<1x256xf32, #tpu.memory_space<hbm>>
      %dma_start3A_453 = tpu.memref_squeeze %dma_start3A_452 : memref<1x256xf32, #tpu.memory_space<hbm>> -> memref<256xf32, #tpu.memory_space<hbm>>
      %dma_start3A_454 = arith.constant 0 : i32
      %dma_start3A_455 = tpu.memref_slice %arg12[%squeeze3A_442, %dma_start3A_454] : memref<64x256xf32, #tpu.memory_space<vmem>> -> memref<1x256xf32, #tpu.memory_space<vmem>>
      %dma_start3A_456 = tpu.memref_squeeze %dma_start3A_455 : memref<1x256xf32, #tpu.memory_space<vmem>> -> memref<256xf32, #tpu.memory_space<vmem>>
      tpu.enqueue_dma source(%dma_start3A_456 : memref<256xf32, #tpu.memory_space<vmem>>) target(%dma_start3A_453 : memref<256xf32, #tpu.memory_space<hbm>>) target_semaphore(%arg18 : memref<!tpu.dma_semaphore, #tpu.memory_space<semaphore_mem>>)
    }
    %scan3A_56 = arith.constant 312 : i32
    %get3A = arith.constant 4992 : index
    %get3A_57 = tpu.vector_load %arg16[%get3A] {strides = array<i32>} : memref<5008xi32, #tpu.memory_space<vmem>>, vector<16xi32>,
    %get3A_58 = vector.shape_cast %get3A_57 : vector<16xi32> to vector<16xi32>
    %add3A_59 = arith.constant 4992 : i32
    %add3A_60 = arith.addi %mul3A_2, %add3A_59 : i32
    %slice3A = vector.extract_strided_slice %get3A_58 {offsets = [0], sizes = [1], strides = [1]} : vector<16xi32> to vector<1xi32>
    %squeeze3A = vector.extract %slice3A[0] : i32 from vector<1xi32>
    %add3A_61 = arith.constant 0 : i32
    %add3A_62 = arith.addi %add3A_60, %add3A_61 : i32
    %dma_start3A_63 = arith.constant 0 : i32
    %dma_start3A_64 = tpu.memref_slice %arg12[%squeeze3A, %dma_start3A_63] : memref<64x256xf32, #tpu.memory_space<vmem>> -> memref<1x256xf32, #tpu.memory_space<vmem>>
    %dma_start3A_65 = tpu.memref_squeeze %dma_start3A_64 : memref<1x256xf32, #tpu.memory_space<vmem>> -> memref<256xf32, #tpu.memory_space<vmem>>
    %dma_start3A_66 = arith.constant 0 : i32
    %dma_start3A_67 = tpu.memref_slice %arg8[%add3A_62, %dma_start3A_66] : memref<160000x256xf32, #tpu.memory_space<hbm>> -> memref<1x256xf32, #tpu.memory_space<hbm>>
    %dma_start3A_68 = tpu.memref_squeeze %dma_start3A_67 : memref<1x256xf32, #tpu.memory_space<hbm>> -> memref<256xf32, #tpu.memory_space<hbm>>
    %dma_start3A_69 = arith.constant 0 : i32
    %dma_start3A_70 = tpu.memref_slice %arg8[%add3A_62, %dma_start3A_69] : memref<160000x256xf32, #tpu.memory_space<hbm>> -> memref<1x256xf32, #tpu.memory_space<hbm>>
    %dma_start3A_71 = tpu.memref_squeeze %dma_start3A_70 : memref<1x256xf32, #tpu.memory_space<hbm>> -> memref<256xf32, #tpu.memory_space<hbm>>
    %dma_start3A_72 = arith.constant 0 : i32
    %dma_start3A_73 = tpu.memref_slice %arg12[%squeeze3A, %dma_start3A_72] : memref<64x256xf32, #tpu.memory_space<vmem>> -> memref<1x256xf32, #tpu.memory_space<vmem>>
    %dma_start3A_74 = tpu.memref_squeeze %dma_start3A_73 : memref<1x256xf32, #tpu.memory_space<vmem>> -> memref<256xf32, #tpu.memory_space<vmem>>
    tpu.enqueue_dma source(%dma_start3A_74 : memref<256xf32, #tpu.memory_space<vmem>>) target(%dma_start3A_71 : memref<256xf32, #tpu.memory_space<hbm>>) target_semaphore(%arg18 : memref<!tpu.dma_semaphore, #tpu.memory_space<semaphore_mem>>)
    %slice3A_75 = vector.extract_strided_slice %get3A_58 {offsets = [1], sizes = [1], strides = [1]} : vector<16xi32> to vector<1xi32>
    %squeeze3A_76 = vector.extract %slice3A_75[0] : i32 from vector<1xi32>
    %add3A_77 = arith.constant 1 : i32
    %add3A_78 = arith.addi %add3A_60, %add3A_77 : i32
    %dma_start3A_79 = arith.constant 0 : i32
    %dma_start3A_80 = tpu.memref_slice %arg12[%squeeze3A_76, %dma_start3A_79] : memref<64x256xf32, #tpu.memory_space<vmem>> -> memref<1x256xf32, #tpu.memory_space<vmem>>
    %dma_start3A_81 = tpu.memref_squeeze %dma_start3A_80 : memref<1x256xf32, #tpu.memory_space<vmem>> -> memref<256xf32, #tpu.memory_space<vmem>>
    %dma_start3A_82 = arith.constant 0 : i32
    %dma_start3A_83 = tpu.memref_slice %arg8[%add3A_78, %dma_start3A_82] : memref<160000x256xf32, #tpu.memory_space<hbm>> -> memref<1x256xf32, #tpu.memory_space<hbm>>
    %dma_start3A_84 = tpu.memref_squeeze %dma_start3A_83 : memref<1x256xf32, #tpu.memory_space<hbm>> -> memref<256xf32, #tpu.memory_space<hbm>>
    %dma_start3A_85 = arith.constant 0 : i32
    %dma_start3A_86 = tpu.memref_slice %arg8[%add3A_78, %dma_start3A_85] : memref<160000x256xf32, #tpu.memory_space<hbm>> -> memref<1x256xf32, #tpu.memory_space<hbm>>
    %dma_start3A_87 = tpu.memref_squeeze %dma_start3A_86 : memref<1x256xf32, #tpu.memory_space<hbm>> -> memref<256xf32, #tpu.memory_space<hbm>>
    %dma_start3A_88 = arith.constant 0 : i32
    %dma_start3A_89 = tpu.memref_slice %arg12[%squeeze3A_76, %dma_start3A_88] : memref<64x256xf32, #tpu.memory_space<vmem>> -> memref<1x256xf32, #tpu.memory_space<vmem>>
    %dma_start3A_90 = tpu.memref_squeeze %dma_start3A_89 : memref<1x256xf32, #tpu.memory_space<vmem>> -> memref<256xf32, #tpu.memory_space<vmem>>
    tpu.enqueue_dma source(%dma_start3A_90 : memref<256xf32, #tpu.memory_space<vmem>>) target(%dma_start3A_87 : memref<256xf32, #tpu.memory_space<hbm>>) target_semaphore(%arg18 : memref<!tpu.dma_semaphore, #tpu.memory_space<semaphore_mem>>)
    %slice3A_91 = vector.extract_strided_slice %get3A_58 {offsets = [2], sizes = [1], strides = [1]} : vector<16xi32> to vector<1xi32>
    %squeeze3A_92 = vector.extract %slice3A_91[0] : i32 from vector<1xi32>
    %add3A_93 = arith.constant 2 : i32
    %add3A_94 = arith.addi %add3A_60, %add3A_93 : i32
    %dma_start3A_95 = arith.constant 0 : i32
    %dma_start3A_96 = tpu.memref_slice %arg12[%squeeze3A_92, %dma_start3A_95] : memref<64x256xf32, #tpu.memory_space<vmem>> -> memref<1x256xf32, #tpu.memory_space<vmem>>
    %dma_start3A_97 = tpu.memref_squeeze %dma_start3A_96 : memref<1x256xf32, #tpu.memory_space<vmem>> -> memref<256xf32, #tpu.memory_space<vmem>>
    %dma_start3A_98 = arith.constant 0 : i32
    %dma_start3A_99 = tpu.memref_slice %arg8[%add3A_94, %dma_start3A_98] : memref<160000x256xf32, #tpu.memory_space<hbm>> -> memref<1x256xf32, #tpu.memory_space<hbm>>
    %dma_start3A_100 = tpu.memref_squeeze %dma_start3A_99 : memref<1x256xf32, #tpu.memory_space<hbm>> -> memref<256xf32, #tpu.memory_space<hbm>>
    %dma_start3A_101 = arith.constant 0 : i32
    %dma_start3A_102 = tpu.memref_slice %arg8[%add3A_94, %dma_start3A_101] : memref<160000x256xf32, #tpu.memory_space<hbm>> -> memref<1x256xf32, #tpu.memory_space<hbm>>
    %dma_start3A_103 = tpu.memref_squeeze %dma_start3A_102 : memref<1x256xf32, #tpu.memory_space<hbm>> -> memref<256xf32, #tpu.memory_space<hbm>>
    %dma_start3A_104 = arith.constant 0 : i32
    %dma_start3A_105 = tpu.memref_slice %arg12[%squeeze3A_92, %dma_start3A_104] : memref<64x256xf32, #tpu.memory_space<vmem>> -> memref<1x256xf32, #tpu.memory_space<vmem>>
    %dma_start3A_106 = tpu.memref_squeeze %dma_start3A_105 : memref<1x256xf32, #tpu.memory_space<vmem>> -> memref<256xf32, #tpu.memory_space<vmem>>
    tpu.enqueue_dma source(%dma_start3A_106 : memref<256xf32, #tpu.memory_space<vmem>>) target(%dma_start3A_103 : memref<256xf32, #tpu.memory_space<hbm>>) target_semaphore(%arg18 : memref<!tpu.dma_semaphore, #tpu.memory_space<semaphore_mem>>)
    %slice3A_107 = vector.extract_strided_slice %get3A_58 {offsets = [3], sizes = [1], strides = [1]} : vector<16xi32> to vector<1xi32>
    %squeeze3A_108 = vector.extract %slice3A_107[0] : i32 from vector<1xi32>
    %add3A_109 = arith.constant 3 : i32
    %add3A_110 = arith.addi %add3A_60, %add3A_109 : i32
    %dma_start3A_111 = arith.constant 0 : i32
    %dma_start3A_112 = tpu.memref_slice %arg12[%squeeze3A_108, %dma_start3A_111] : memref<64x256xf32, #tpu.memory_space<vmem>> -> memref<1x256xf32, #tpu.memory_space<vmem>>
    %dma_start3A_113 = tpu.memref_squeeze %dma_start3A_112 : memref<1x256xf32, #tpu.memory_space<vmem>> -> memref<256xf32, #tpu.memory_space<vmem>>
    %dma_start3A_114 = arith.constant 0 : i32
    %dma_start3A_115 = tpu.memref_slice %arg8[%add3A_110, %dma_start3A_114] : memref<160000x256xf32, #tpu.memory_space<hbm>> -> memref<1x256xf32, #tpu.memory_space<hbm>>
    %dma_start3A_116 = tpu.memref_squeeze %dma_start3A_115 : memref<1x256xf32, #tpu.memory_space<hbm>> -> memref<256xf32, #tpu.memory_space<hbm>>
    %dma_start3A_117 = arith.constant 0 : i32
    %dma_start3A_118 = tpu.memref_slice %arg8[%add3A_110, %dma_start3A_117] : memref<160000x256xf32, #tpu.memory_space<hbm>> -> memref<1x256xf32, #tpu.memory_space<hbm>>
    %dma_start3A_119 = tpu.memref_squeeze %dma_start3A_118 : memref<1x256xf32, #tpu.memory_space<hbm>> -> memref<256xf32, #tpu.memory_space<hbm>>
    %dma_start3A_120 = arith.constant 0 : i32
    %dma_start3A_121 = tpu.memref_slice %arg12[%squeeze3A_108, %dma_start3A_120] : memref<64x256xf32, #tpu.memory_space<vmem>> -> memref<1x256xf32, #tpu.memory_space<vmem>>
    %dma_start3A_122 = tpu.memref_squeeze %dma_start3A_121 : memref<1x256xf32, #tpu.memory_space<vmem>> -> memref<256xf32, #tpu.memory_space<vmem>>
    tpu.enqueue_dma source(%dma_start3A_122 : memref<256xf32, #tpu.memory_space<vmem>>) target(%dma_start3A_119 : memref<256xf32, #tpu.memory_space<hbm>>) target_semaphore(%arg18 : memref<!tpu.dma_semaphore, #tpu.memory_space<semaphore_mem>>)
    %slice3A_123 = vector.extract_strided_slice %get3A_58 {offsets = [4], sizes = [1], strides = [1]} : vector<16xi32> to vector<1xi32>
    %squeeze3A_124 = vector.extract %slice3A_123[0] : i32 from vector<1xi32>
    %add3A_125 = arith.constant 4 : i32
    %add3A_126 = arith.addi %add3A_60, %add3A_125 : i32
    %dma_start3A_127 = arith.constant 0 : i32
    %dma_start3A_128 = tpu.memref_slice %arg12[%squeeze3A_124, %dma_start3A_127] : memref<64x256xf32, #tpu.memory_space<vmem>> -> memref<1x256xf32, #tpu.memory_space<vmem>>
    %dma_start3A_129 = tpu.memref_squeeze %dma_start3A_128 : memref<1x256xf32, #tpu.memory_space<vmem>> -> memref<256xf32, #tpu.memory_space<vmem>>
    %dma_start3A_130 = arith.constant 0 : i32
    %dma_start3A_131 = tpu.memref_slice %arg8[%add3A_126, %dma_start3A_130] : memref<160000x256xf32, #tpu.memory_space<hbm>> -> memref<1x256xf32, #tpu.memory_space<hbm>>
    %dma_start3A_132 = tpu.memref_squeeze %dma_start3A_131 : memref<1x256xf32, #tpu.memory_space<hbm>> -> memref<256xf32, #tpu.memory_space<hbm>>
    %dma_start3A_133 = arith.constant 0 : i32
    %dma_start3A_134 = tpu.memref_slice %arg8[%add3A_126, %dma_start3A_133] : memref<160000x256xf32, #tpu.memory_space<hbm>> -> memref<1x256xf32, #tpu.memory_space<hbm>>
    %dma_start3A_135 = tpu.memref_squeeze %dma_start3A_134 : memref<1x256xf32, #tpu.memory_space<hbm>> -> memref<256xf32, #tpu.memory_space<hbm>>
    %dma_start3A_136 = arith.constant 0 : i32
    %dma_start3A_137 = tpu.memref_slice %arg12[%squeeze3A_124, %dma_start3A_136] : memref<64x256xf32, #tpu.memory_space<vmem>> -> memref<1x256xf32, #tpu.memory_space<vmem>>
    %dma_start3A_138 = tpu.memref_squeeze %dma_start3A_137 : memref<1x256xf32, #tpu.memory_space<vmem>> -> memref<256xf32, #tpu.memory_space<vmem>>
    tpu.enqueue_dma source(%dma_start3A_138 : memref<256xf32, #tpu.memory_space<vmem>>) target(%dma_start3A_135 : memref<256xf32, #tpu.memory_space<hbm>>) target_semaphore(%arg18 : memref<!tpu.dma_semaphore, #tpu.memory_space<semaphore_mem>>)
    %slice3A_139 = vector.extract_strided_slice %get3A_58 {offsets = [5], sizes = [1], strides = [1]} : vector<16xi32> to vector<1xi32>
    %squeeze3A_140 = vector.extract %slice3A_139[0] : i32 from vector<1xi32>
    %add3A_141 = arith.constant 5 : i32
    %add3A_142 = arith.addi %add3A_60, %add3A_141 : i32
    %dma_start3A_143 = arith.constant 0 : i32
    %dma_start3A_144 = tpu.memref_slice %arg12[%squeeze3A_140, %dma_start3A_143] : memref<64x256xf32, #tpu.memory_space<vmem>> -> memref<1x256xf32, #tpu.memory_space<vmem>>
    %dma_start3A_145 = tpu.memref_squeeze %dma_start3A_144 : memref<1x256xf32, #tpu.memory_space<vmem>> -> memref<256xf32, #tpu.memory_space<vmem>>
    %dma_start3A_146 = arith.constant 0 : i32
    %dma_start3A_147 = tpu.memref_slice %arg8[%add3A_142, %dma_start3A_146] : memref<160000x256xf32, #tpu.memory_space<hbm>> -> memref<1x256xf32, #tpu.memory_space<hbm>>
    %dma_start3A_148 = tpu.memref_squeeze %dma_start3A_147 : memref<1x256xf32, #tpu.memory_space<hbm>> -> memref<256xf32, #tpu.memory_space<hbm>>
    %dma_start3A_149 = arith.constant 0 : i32
    %dma_start3A_150 = tpu.memref_slice %arg8[%add3A_142, %dma_start3A_149] : memref<160000x256xf32, #tpu.memory_space<hbm>> -> memref<1x256xf32, #tpu.memory_space<hbm>>
    %dma_start3A_151 = tpu.memref_squeeze %dma_start3A_150 : memref<1x256xf32, #tpu.memory_space<hbm>> -> memref<256xf32, #tpu.memory_space<hbm>>
    %dma_start3A_152 = arith.constant 0 : i32
    %dma_start3A_153 = tpu.memref_slice %arg12[%squeeze3A_140, %dma_start3A_152] : memref<64x256xf32, #tpu.memory_space<vmem>> -> memref<1x256xf32, #tpu.memory_space<vmem>>
    %dma_start3A_154 = tpu.memref_squeeze %dma_start3A_153 : memref<1x256xf32, #tpu.memory_space<vmem>> -> memref<256xf32, #tpu.memory_space<vmem>>
    tpu.enqueue_dma source(%dma_start3A_154 : memref<256xf32, #tpu.memory_space<vmem>>) target(%dma_start3A_151 : memref<256xf32, #tpu.memory_space<hbm>>) target_semaphore(%arg18 : memref<!tpu.dma_semaphore, #tpu.memory_space<semaphore_mem>>)
    %slice3A_155 = vector.extract_strided_slice %get3A_58 {offsets = [6], sizes = [1], strides = [1]} : vector<16xi32> to vector<1xi32>
    %squeeze3A_156 = vector.extract %slice3A_155[0] : i32 from vector<1xi32>
    %add3A_157 = arith.constant 6 : i32
    %add3A_158 = arith.addi %add3A_60, %add3A_157 : i32
    %dma_start3A_159 = arith.constant 0 : i32
    %dma_start3A_160 = tpu.memref_slice %arg12[%squeeze3A_156, %dma_start3A_159] : memref<64x256xf32, #tpu.memory_space<vmem>> -> memref<1x256xf32, #tpu.memory_space<vmem>>
    %dma_start3A_161 = tpu.memref_squeeze %dma_start3A_160 : memref<1x256xf32, #tpu.memory_space<vmem>> -> memref<256xf32, #tpu.memory_space<vmem>>
    %dma_start3A_162 = arith.constant 0 : i32
    %dma_start3A_163 = tpu.memref_slice %arg8[%add3A_158, %dma_start3A_162] : memref<160000x256xf32, #tpu.memory_space<hbm>> -> memref<1x256xf32, #tpu.memory_space<hbm>>
    %dma_start3A_164 = tpu.memref_squeeze %dma_start3A_163 : memref<1x256xf32, #tpu.memory_space<hbm>> -> memref<256xf32, #tpu.memory_space<hbm>>
    %dma_start3A_165 = arith.constant 0 : i32
    %dma_start3A_166 = tpu.memref_slice %arg8[%add3A_158, %dma_start3A_165] : memref<160000x256xf32, #tpu.memory_space<hbm>> -> memref<1x256xf32, #tpu.memory_space<hbm>>
    %dma_start3A_167 = tpu.memref_squeeze %dma_start3A_166 : memref<1x256xf32, #tpu.memory_space<hbm>> -> memref<256xf32, #tpu.memory_space<hbm>>
    %dma_start3A_168 = arith.constant 0 : i32
    %dma_start3A_169 = tpu.memref_slice %arg12[%squeeze3A_156, %dma_start3A_168] : memref<64x256xf32, #tpu.memory_space<vmem>> -> memref<1x256xf32, #tpu.memory_space<vmem>>
    %dma_start3A_170 = tpu.memref_squeeze %dma_start3A_169 : memref<1x256xf32, #tpu.memory_space<vmem>> -> memref<256xf32, #tpu.memory_space<vmem>>
    tpu.enqueue_dma source(%dma_start3A_170 : memref<256xf32, #tpu.memory_space<vmem>>) target(%dma_start3A_167 : memref<256xf32, #tpu.memory_space<hbm>>) target_semaphore(%arg18 : memref<!tpu.dma_semaphore, #tpu.memory_space<semaphore_mem>>)
    %slice3A_171 = vector.extract_strided_slice %get3A_58 {offsets = [7], sizes = [1], strides = [1]} : vector<16xi32> to vector<1xi32>
    %squeeze3A_172 = vector.extract %slice3A_171[0] : i32 from vector<1xi32>
    %add3A_173 = arith.constant 7 : i32
    %add3A_174 = arith.addi %add3A_60, %add3A_173 : i32
    %dma_start3A_175 = arith.constant 0 : i32
    %dma_start3A_176 = tpu.memref_slice %arg12[%squeeze3A_172, %dma_start3A_175] : memref<64x256xf32, #tpu.memory_space<vmem>> -> memref<1x256xf32, #tpu.memory_space<vmem>>
    %dma_start3A_177 = tpu.memref_squeeze %dma_start3A_176 : memref<1x256xf32, #tpu.memory_space<vmem>> -> memref<256xf32, #tpu.memory_space<vmem>>
    %dma_start3A_178 = arith.constant 0 : i32
    %dma_start3A_179 = tpu.memref_slice %arg8[%add3A_174, %dma_start3A_178] : memref<160000x256xf32, #tpu.memory_space<hbm>> -> memref<1x256xf32, #tpu.memory_space<hbm>>
    %dma_start3A_180 = tpu.memref_squeeze %dma_start3A_179 : memref<1x256xf32, #tpu.memory_space<hbm>> -> memref<256xf32, #tpu.memory_space<hbm>>
    %dma_start3A_181 = arith.constant 0 : i32
    %dma_start3A_182 = tpu.memref_slice %arg8[%add3A_174, %dma_start3A_181] : memref<160000x256xf32, #tpu.memory_space<hbm>> -> memref<1x256xf32, #tpu.memory_space<hbm>>
    %dma_start3A_183 = tpu.memref_squeeze %dma_start3A_182 : memref<1x256xf32, #tpu.memory_space<hbm>> -> memref<256xf32, #tpu.memory_space<hbm>>
    %dma_start3A_184 = arith.constant 0 : i32
    %dma_start3A_185 = tpu.memref_slice %arg12[%squeeze3A_172, %dma_start3A_184] : memref<64x256xf32, #tpu.memory_space<vmem>> -> memref<1x256xf32, #tpu.memory_space<vmem>>
    %dma_start3A_186 = tpu.memref_squeeze %dma_start3A_185 : memref<1x256xf32, #tpu.memory_space<vmem>> -> memref<256xf32, #tpu.memory_space<vmem>>
    tpu.enqueue_dma source(%dma_start3A_186 : memref<256xf32, #tpu.memory_space<vmem>>) target(%dma_start3A_183 : memref<256xf32, #tpu.memory_space<hbm>>) target_semaphore(%arg18 : memref<!tpu.dma_semaphore, #tpu.memory_space<semaphore_mem>>)
    %scan3A_187 = arith.constant 0 : i32
    %scan3A_188 = arith.constant 125 : i32
    %scan3A_189 = arith.addi %scan3A_187, %scan3A_188 : i32
    %scan3A_190 = arith.constant 1 : i32
    scf.for %scan3A_192 = %scan3A_187 to %scan3A_189 step %scan3A_190  : i32 {
      %dma_wait3A_193 = arith.constant 0 : i32
      %dma_wait3A_194 = arith.constant 0 : i32
      %dma_wait3A_195 = tpu.memref_slice %arg12[%dma_wait3A_193, %dma_wait3A_194] : memref<64x256xf32, #tpu.memory_space<vmem>> -> memref<40x256xf32, #tpu.memory_space<vmem>>
      %dma_wait3A_196 = arith.constant 0 : i32
      %dma_wait3A_197 = arith.constant 0 : i32
      %dma_wait3A_198 = tpu.memref_slice %arg8[%dma_wait3A_196, %dma_wait3A_197] : memref<160000x256xf32, #tpu.memory_space<hbm>> -> memref<40x256xf32, #tpu.memory_space<hbm>>
      %dma_wait3A_199 = arith.constant 0 : i32
      %dma_wait3A_200 = arith.constant 0 : i32
      %dma_wait3A_201 = tpu.memref_slice %arg8[%dma_wait3A_199, %dma_wait3A_200] : memref<160000x256xf32, #tpu.memory_space<hbm>> -> memref<40x256xf32, #tpu.memory_space<hbm>>
      %dma_wait3A_202 = arith.constant 0 : i32
      %dma_wait3A_203 = arith.constant 0 : i32
      %dma_wait3A_204 = tpu.memref_slice %arg12[%dma_wait3A_202, %dma_wait3A_203] : memref<64x256xf32, #tpu.memory_space<vmem>> -> memref<40x256xf32, #tpu.memory_space<vmem>>
      tpu.wait_dma2 semaphore(%arg18 : memref<!tpu.dma_semaphore, #tpu.memory_space<semaphore_mem>>) src(%dma_wait3A_204 : memref<40x256xf32, #tpu.memory_space<vmem>>) dst(%dma_wait3A_201 : memref<40x256xf32, #tpu.memory_space<hbm>>)
    }
    %scan3A_191 = arith.constant 125 : i32
    return
  }
}

</mosaic_0001>

<sc_bundles>
// kernel: _bond_encode_sc.3.cloned.1.call-start
scs
__scs_entry_jumppad:
0x0: {  	(pc) =	sbr.rel $0x88, $3  }
0x1: {  	(tag) =	ssettag $0x0;
	lr =	simm.s32 $0x1  }
0x2: {  	[smem:$0x3F9B] =	sst lr;
	_ =	strace $0xD0000000  }
0x3: {  	_ = 	snop  }
0x4: {  	_ = 	snop  }
0x5: {  	_ = 	snop  }
0x6: {  	_ = 	snop  }
0x7: {  	_ = 	snop  }
__scs_overlays_trampoline_lowered:
0x8: {  	[smem:$0x3FAA] =	sst s0  }
0x9: {  	[smem:$0x3FAB] =	sst s1  }
0xa: {  	[smem:$0x3FAC] =	sst s2  }
0xb: {  	[smem:$0x3FAD] =	sst s3  }
0xc: {  	[smem:$0x3FAE] =	sst s4  }
0xd: {  	[smem:$0x3FAF] =	sst s5  }
0xe: {  	[smem:$0x3FB0] =	sst s6  }
0xf: {  	[smem:$0x3FB1] =	sst s7  }
0x10: {  	[smem:$0x3FB2] =	sst s8  }
0x11: {  	[smem:$0x3FB3] =	sst s9;
	s0 =	simm.s32 @!p0 $0x0  }
0x12: {  	s1 =	sld [smem:$0x3F99];
	s0 =	simm.s32 @p0 $0x1  }
0x13: {  	[smem:$0x3FB4] =	sst s0;
	s0 =	simm.s32 @!p1 $0x0  }
0x14: {  	s2 =	sld [smem:$0x3F98];
	s0 =	simm.s32 @p1 $0x1  }
0x15: {  	[smem:$0x3FB5] =	sst s0;
	s0 =	simm.s32 @!p2 $0x0  }
0x16: {  	s3 =	sld [smem:$0x3FDB];
	s0 =	simm.s32 @p2 $0x1  }
0x17: {  	s4 =	simm.s32 $0x1BF5;
	[smem:$0x3FB7] =	sst s0  }
0x18: {  	s0 =	sld [smem:$0x3F9A];
	_ =	swait.ge [sflag:s4], $0x0  }
0x19: {  	s7 =	sld [smem:$0x3F9B]  }
0x1a: {  	s8 =	sadd.s32 $0xFFFFE003, lr  }
0x1b: {  	s9 =	sadd.s32 $0xFFFFFEF7, lr;
	s5 =	simm.s32 $0xFFFFFFFF;
	p2 =	slt.u32 s8, $0xFFFFF086  }
0x1c: {  	p1 =	slt.u32 s9, $0xF7A;
	s5 =	simm.s32 @!p2 $0x0  }
0x1d: {  	s5 =	simm.s32 @p1 $0x1;
	p0 =	seq.s32 s7, s2  }
0x1e: {  	s7 =	smul.u32 @!p0 $0xF7A, s2;
	p2 =	seq.s32 @!p0 s5, $0x0  }
0x1f: {  	s9 =	smul.u32 $0xF7A, s1;
	s8 =	simm.s32 @!p0 $0x1BF5;
	p2 =	por !p2, p0  }
0x20: {  	[sflag:s8] =	ssyncset.s32 @!p0 $0xFFFFF086;
	s6 =	sadd.s32 @!p0 s3, s7;
	s7 =	simm.s32 @!p0 $0x108  }
0x21: {  	s3 =	sadd.s32 s3, s9;
	s6 =	sadd.s32 @!p0 $0x88, s6;
	s7 =	simm.s32 @p2 $0x1082  }
0x22: {  	[simem:s7], [sflag:s8] =	dma.local @!p0 [hbm:s6], $0xF7A  }
0x23: {  	s9 =	sor.u32 $0xD0000000, s2;
	s6 =	simm.s32 $0x108;
	_ =	swait.ge @!p0 [sflag:s8], $0x0  }
0x24: {  	s3 =	sadd.s32 $0x88, s3;
	s6 =	simm.s32 @!p1 $0x1082;
	[sflag:s4] =	ssyncset.s32 $0xFFFFF086  }
0x25: {  	[simem:s6], [sflag:s4] =	dma.local [hbm:s3], $0xF7A  }
0x26: {  	[smem:$0x3F9B] =	sst s1;
	(tag) =	ssettag s2;
	_ =	strace s9  }
0x27: {  	s1 =	sld [smem:$0x3FAB]  }
0x28: {  	s2 =	sld [smem:$0x3FAC]  }
0x29: {  	s4 =	sld [smem:$0x3FAE]  }
0x2a: {  	p0 =	seq.s32 s5, $0x0;
	s5 =	sld [smem:$0x3FAF]  }
0x2b: {  	s6 =	sld [smem:$0x3FB0]  }
0x2c: {  	s7 =	sld [smem:$0x3FB1]  }
0x2d: {  	s3 =	simm.s32 $0x108;
	s8 =	sld [smem:$0x3FB2]  }
0x2e: {  	s3 =	simm.s32 @!p0 $0x1082;
	s9 =	sld [smem:$0x3FB3]  }
0x2f: {  	lr =	sadd.s32 s0, s3;
	s0 =	sld [smem:$0x3FAA]  }
0x30: {  	s3 =	sld [smem:$0x3FAD]  }
0x31: {  	[smem:$0x3FB6] =	sst s10  }
0x32: {  	s10 =	sld [smem:$0x3FB4];
	_ =	sdelay $0x3  }
0x33: {  	p0 =	seq.s32 s10, $0x1;
	s10 =	sld [smem:$0x3FB6];
	_ =	sdelay $0x3  }
0x34: {  	[smem:$0x3FB6] =	sst s10  }
0x35: {  	s10 =	sld [smem:$0x3FB5];
	_ =	sdelay $0x3  }
0x36: {  	p1 =	seq.s32 s10, $0x1;
	s10 =	sld [smem:$0x3FB6];
	_ =	sdelay $0x3  }
0x37: {  	[smem:$0x3FB6] =	sst s10  }
0x38: {  	s10 =	sld [smem:$0x3FB7]  }
0x39: {  	_ = 	snop;
	(pc) =	sbr.ind lr, $3  }
0x3a: {  	_ = 	snop  }
0x3b: {  	_ = 	snop  }
0x3c: {  	p2 =	seq.s32 s10, $0x1;
	s10 =	sld [smem:$0x3FB6]  }
0x3d: {  	_ =	shalt  }
0x3e: {  	_ =	shalt  }
0x3f: {  	_ =	shalt  }
0x40: {  	_ =	shalt  }
0x41: {  	_ =	shalt  }
0x42: {  	_ =	shalt  }
0x43: {  	_ =	shalt  }
0x44: {  	_ =	shalt  }
0x45: {  	_ =	shalt  }
0x46: {  	_ =	shalt  }
0x47: {  	_ =	shalt  }
0x48: {  	_ =	shalt  }
0x49: {  	_ =	shalt  }
0x4a: {  	_ =	shalt  }
0x4b: {  	_ =	shalt  }
0x4c: {  	_ =	shalt  }
0x4d: {  	_ =	shalt  }
0x4e: {  	_ =	shalt  }
0x4f: {  	_ =	shalt  }
0x50: {  	_ =	shalt  }
0x51: {  	_ =	shalt  }
0x52: {  	_ =	shalt  }
0x53: {  	_ =	shalt  }
0x54: {  	_ =	shalt  }
0x55: {  	_ =	shalt  }
0x56: {  	_ =	shalt  }
0x57: {  	_ =	shalt  }
0x58: {  	_ =	shalt  }
0x59: {  	_ =	shalt  }
0x5a: {  	_ =	shalt  }
0x5b: {  	_ =	shalt  }
0x5c: {  	_ =	shalt  }
0x5d: {  	_ =	shalt  }
0x5e: {  	_ =	shalt  }
0x5f: {  	_ =	shalt  }
0x60: {  	_ =	shalt  }
0x61: {  	_ =	shalt  }
0x62: {  	_ =	shalt  }
0x63: {  	_ =	shalt  }
0x64: {  	_ =	shalt  }
0x65: {  	_ =	shalt  }
0x66: {  	_ =	shalt  }
0x67: {  	_ =	shalt  }
0x68: {  	_ =	shalt  }
0x69: {  	_ =	shalt  }
0x6a: {  	_ =	shalt  }
0x6b: {  	_ =	shalt  }
0x6c: {  	_ =	shalt  }
0x6d: {  	_ =	shalt  }
0x6e: {  	_ =	shalt  }
0x6f: {  	_ =	shalt  }
0x70: {  	_ =	shalt  }
0x71: {  	_ =	shalt  }
0x72: {  	_ =	shalt  }
0x73: {  	_ =	shalt  }
0x74: {  	_ =	shalt  }
0x75: {  	_ =	shalt  }
0x76: {  	_ =	shalt  }
0x77: {  	_ =	shalt  }
0x78: {  	_ =	shalt  }
0x79: {  	_ =	shalt  }
0x7a: {  	_ =	shalt  }
0x7b: {  	_ =	shalt  }
0x7c: {  	_ =	shalt  }
0x7d: {  	_ =	shalt  }
0x7e: {  	_ =	shalt  }
0x7f: {  	_ =	shalt  }
0x80: {  	_ =	shalt  }
0x81: {  	_ =	shalt  }
0x82: {  	_ =	shalt  }
0x83: {  	_ =	shalt  }
0x84: {  	_ =	shalt  }
0x85: {  	_ =	shalt  }
0x86: {  	_ =	shalt  }
0x87: {  	_ =	shalt  }
.Lfunc_end0:
.L_simem_size_0:
called_computation_lowered:
.L_overlay_start_0:
0x88: {  	s2 =	sld [smem:$0x3FD9]  }
0x89: {  	s3 =	sld [smem:$0x3FFE];
	_ =	sdelay $0x1  }
0x8a: {  	s1 =	srdreg.scid  }
0x8b: {  	s0 =	sand.u32 $0x1, s1  }
0x8c: {  	s18 =	sshll.u32 s0, $0xA;
	s2 =	sadd.s32 s3, s2  }
0x8d: {  	s2 =	sadd.s32 s2, s18  }
0x8e: {  	[smem:$0x3FC2] =	sst s2  }
0x8f: {  	_ = 	snop  }
0x90: {  	s2 =	sld [smem:$0x3FC9]  }
0x91: {  	s19 =	sld [smem:$0x3FC8]  }
0x92: {  	s4 =	sld [smem:$0x3FC7]  }
0x93: {  	s5 =	sld [smem:$0x3FC6]  }
0x94: {  	s6 =	sld [smem:$0x3FC5]  }
0x95: {  	s7 =	sld [smem:$0x3FC4]  }
0x96: {  	s8 =	sld [smem:$0x3FD0];
	(tm) =	ssettm $0x1  }
0x97: {  	s9 =	sld [smem:$0x3FFB];
	_ =	sdelay $0x3  }
0x98: {  	_ =	strace s9  }
0x99: {  	s9 =	sld [smem:$0x3FFC];
	_ =	sdelay $0x3  }
0x9a: {  	_ =	strace s9  }
0x9b: {  	s9 =	sld [smem:$0x3FFD];
	_ =	sdelay $0x3  }
0x9c: {  	_ =	strace s9  }
0x9d: {  	_ =	strace $0x8FFFFFFF  }
0x9e: {  	s20 =	sld [smem:$0x3FDB];
	_ =	sdelay $0x1  }
0x9f: {  	s10 =	simm.s32 $_scs_section_size  }
0xa0: {  	s11 =	simm.s32 $_size__tile_overlayer_lowered;
	s12 =	simm.s32 $_tile_overlayer_lowered  }
0xa1: {  	s23 =	simm.s32 $0x1BFF;
	s22 =	sshll.u32 s12, $0x1;
	s9 =	sadd.s32 s10, s20  }
0xa2: {  	s13 =	simm.s32 $0x0;
	s21 =	sshll.u32 s11, $0x1;
	s11 =	sadd.s32 s22, s9  }
0xa3: {  	[timem:s13], [sflag:s23] =	dma.local [hbm:s11], s21  }
0xa4: {  	_ =	swait.ge [sflag:s23], s21  }
0xa5: {  	s10 =	ssub.s32 $0x0, s21;
	[sflag:s23] =	ssyncset.done $0x0  }
0xa6: {  	[sflag:s23] =	ssyncadd.s32 s10;
	_ =	sdelay $0x1  }
0xa7: {  	s24 =	simm.s32 $0x1B8B  }
0xa8: {  	_ =	swait.ge [sflag:s24], $0x1  }
0xa9: {  	[sflag:s24] =	ssyncset.done $0x0  }
0xaa: {  	s25 =	simm.s32 $0x1B8E;
	[sflag:s24] =	ssyncadd.s32 $0xFFFFFFFF  }
0xab: {  	s26 =	simm.s32 $execute0_lowered;
	[smem:$0x3FD2] =	sst s25  }
0xac: {  	s10 =	sshll.u32 s26, $0x1;
	_ =	strace $0x80000046;
	[dreg:$0x1] =	wrdreg $0xFFFFFFFF  }
0xad: {  	s28 =	simm.s32 $_size_execute0_lowered;
	s9 =	sadd.s32 s9, s10;
	[dreg:$0x0] =	wrdreg $0x0  }
0xae: {  	s10 =	sshll.u32 s28, $0x1;
	[dreg:$0x2] =	wrdreg s9  }
0xaf: {  	[dreg:$0x3] =	wrdreg s10  }
0xb0: {  	[dreg:$0x4] =	wrdreg $0xC0  }
0xb1: {  	_ =	task [dreg:s13], $0x5FFFF  }
0xb2: {  	[dreg:$0x1] =	wrdreg $0xFFFFFFFF  }
0xb3: {  	[dreg:$0x0] =	wrdreg $0x60  }
0xb4: {  	[dreg:$0x2] =	wrdreg s2  }
0xb5: {  	[dreg:$0x3] =	wrdreg s19  }
0xb6: {  	[dreg:$0x4] =	wrdreg s4  }
0xb7: {  	[dreg:$0x5] =	wrdreg s5  }
0xb8: {  	[dreg:$0x6] =	wrdreg s6  }
0xb9: {  	[dreg:$0x7] =	wrdreg s7  }
0xba: {  	[dreg:$0x8] =	wrdreg s8  }
0xbb: {  	[dreg:$0x9] =	wrdreg $0x9  }
0xbc: {  	_ =	task.clear_ibuf [dreg:s13], $0xAFFFF;
	_ =	strace $0x90000046  }
0xbd: {  	s29 =	simm.s32 $0x9;
	_ =	strace $0x80000048  }
0xbe: {  	_ =	swait.ge [sflag:s29], $0x1  }
0xbf: {  	[sflag:s29] =	ssyncadd.s32 $0xFFFFFFFF  }
0xc0: {  	_ =	strace $0x90000048  }
0xc1: {  	_ =	sfence  }
0xc2: {  	s30 =	sld [smem:$0x0];
	_ =	sdelay $0x2  }
0xc3: {  	s31 =	sshll.u32 s1, $0xD;
	s1 =	sshrl.u32 s1, $0x2  }
0xc4: {  	s3 =	sand.u32 $0x4000, s31;
	s1 =	sadd.s32 s1, s30  }
0xc5: {  	s0 =	sor.u32 s3, s0;
	s1 =	sshll.u32 s1, $0x11  }
0xc6: {  	s0 =	sor.u32 s1, s0  }
0xc7: {  	s0 =	sadd.s32 $0x8F2B, s0  }
0xc8: {  	[sflag:s0] =	ssyncadd.remote.s32 $0x1  }
0xc9: {  	_ =	sfence.sel $0xFFFF  }
0xca: {  	[dreg:$0x0] =	wrdreg $0xFFFFFFFF;
	(pc) =	sbr.abs _section_cstart, $3  }
0xcb: {  	[dreg:$0x1] =	wrdreg $0xFFFFFFFF  }
0xcc: {  	_ =	task.clear_ibuf [dreg:s13], $0x2FFFF;
	_ =	strace $0x9FFFFFFF  }
0xcd: {  	(tm) =	ssettm $0x7FFFFFFF  }
tec
execute0_lowered:
.L_overlay_start_1:
0x0: {  	(tag) =	ssettag $0x1  }
0x1: {  	s0 =	rddreg [dreg:$0x0];
	s3 =	srdreg.scid  }
0x2: {  	s1 =	rddreg [dreg:$0x1];
	s3 =	sand.u32 $0x1, s3  }
0x3: {  	s2 =	rddreg [dreg:$0x2];
	s5 =	stileid.u32;
	s4 =	sshll.u32 s3, $0x4  }
0x4: {  	s6 =	rddreg [dreg:$0x6];
	s8 =	ssub.s32 $0x2, s3;
	s4 =	sor.u32 s5, s4  }
0x5: {  	s18 =	simm.s32 $0x0;
	s9 =	sshrl.u32 s8, $0x1;
	s7 =	smul.u32 $0x1388, s4  }
0x6: {  	[smem:$0x7FF] =	sst s18;
	s8 =	ssub.s32 s8, s9  }
0x7: {  	s4 =	smul.u32 $0x138800, s4;
	s31 =	smax.u32 s8, $0x1;
	s7 =	sshrl.u32 s7, $0x3  }
0x8: {  	_ =	strace $0x80000047;
	[smem:$0x7FD] =	sst s31;
	s0 =	sadd.s32 s0, s7  }
0x9: {  	s4 =	sshrl.u32 s4, $0x3;
	s17 =	sadd.s32 s1, s7;
	[dreg:$0x16] =	wrdreg s0  }
0xa: {  	s19 =	sadd.s32 s6, s4;
	s20 =	sadd.s32 s2, s7;
	[dreg:$0x17] =	wrdreg s17  }
0xb: {  	[dreg:$0x18] =	wrdreg s20;
	s21 =	sadd.s32 $0x27000, s19  }
0xc: {  	s23 =	sadd.s32 $0x27010, s19;
	[dreg:$0x19] =	wrdreg s21  }
0xd: {  	s24 =	sadd.s32 $0x27020, s19;
	[dreg:$0x1a] =	wrdreg s23  }
0xe: {  	s26 =	sadd.s32 $0x27030, s19;
	[dreg:$0x1b] =	wrdreg s24  }
0xf: {  	s28 =	sadd.s32 $0x27040, s19;
	[dreg:$0x1c] =	wrdreg s26  }
0x10: {  	s22 =	smul.u32 $0x271000, s3;
	s29 =	sadd.s32 $0x27050, s19;
	[dreg:$0x1d] =	wrdreg s28  }
0x11: {  	s25 =	smul.u32 $0x27100, s5;
	s30 =	sadd.s32 $0x27060, s19;
	[dreg:$0x1e] =	wrdreg s29  }
0x12: {  	s1 =	sadd.s32 s22, s6;
	s0 =	sadd.s32 $0x27070, s19;
	[dreg:$0x1f] =	wrdreg s30  }
0x13: {  	s1 =	sadd.s32 s25, s1;
	[smem:$0x7FC] =	sst s0  }
0x14: {  	s2 =	simm.s32 $0x0;
	[dreg:$0x8] =	wrdreg s1  }
.LBB2_1:
0x15: {  	[smem:$0x7FB] =	sst s2  }
0x16: {  	s0 =	rddreg [dreg:$0x16];
	s1 =	simm.s32 $0x5200  }
0x17: {  	[tilespmem:s1], [sflag:$0x1] =	stream.linear.gather [hbm4b:s0+s18], $0x1388, $0x38;
	[tilespmem:$0xA200] =	vst v63  }
0x18: {  	s3 =	rddreg [dreg:$0x17];
	s4 =	simm.s32 $0x6600  }
0x19: {  	[tilespmem:s4], [sflag:$0x1] =	stream.linear.gather [hbm4b:s3+s18], $0x1388, $0x38;
	[tilespmem:$0xA200] =	vst v63  }
0x1a: {  	s5 =	rddreg [dreg:$0x18];
	s6 =	simm.s32 $0x7A00  }
0x1b: {  	[tilespmem:s6], [sflag:$0x1] =	stream.linear.gather [hbm4b:s5+s18], $0x1388, $0x38;
	[tilespmem:$0xA200] =	vst v63  }
0x1c: {  	s7 =	rddreg [dreg:$0x3];
	s8 =	simm.s32 $0x3;
	s11 =	smulhi.u32 $0xAAAAAAAB, s18  }
0x1d: {  	[tilespmem:s18], [sflag:$0x3] =	stream.linear.gather [hbm4b:s7+s18], $0x800, $0x38;
	[tilespmem:$0xA200] =	vst v63  }
0x1e: {  	s10 =	simm.s32 $0x800;
	p0 =	por $0x0, $0x0;
	_ =	swait.ge [sflag:s8], $0x800  }
0x1f: {  	s14 =	sand.u32 $0x1, s18;
	s0 =	sshrl.u32 s11, $0x3;
	[sflag:s8] =	ssyncset.done $0x0  }
0x20: {  	p2 =	seq.s32 s14, $0x1;
	s13 =	smul.u32 $0xFFFFFFF4, s0;
	[sflag:s8] =	ssyncadd.s32 $0xFFFFF800  }
0x21: {  	s3 =	simm.s32 $0x1000;
	s16 =	smul.u32 $0xFFFFF400, s0;
	s9 =	rddreg [dreg:$0x4]  }
0x22: {  	[tilespmem:s10], [sflag:$0x3] =	stream.linear.gather [hbm4b:s9+s18], $0x800, $0x38;
	[tilespmem:$0xA200] =	vst v63  }
0x23: {  	s4 =	simm.s32 $0x1;
	s1 =	sadd.s32 $0x0, s13;
	_ =	swait.ge [sflag:s8], $0x800  }
0x24: {  	s6 =	smul.u32 $0xAB, s18;
	p1 =	slt.s32 s1, $0x1;
	[sflag:s8] =	ssyncset.done $0x0  }
0x25: {  	s15 =	sand.u32 $0x80, s1;
	p2 =	por !p1, !p2;
	[sflag:s8] =	ssyncadd.s32 $0xFFFFF800  }
0x26: {  	p1 =	por !p1, !p0;
	s6 =	sshrl.u32 s6, $0x4;
	s12 =	rddreg [dreg:$0x5]  }
0x27: {  	[tilespmem:s3], [sflag:$0x3] =	stream.linear.gather [hbm4b:s12+s18], $0x200, $0x38;
	[tilespmem:$0xA200] =	vst v63  }
0x28: {  	p2 =	por !p2, !p2;
	p1 =	por !p1, !p1;
	s3 =	sshrl.u32 s15, $0x7  }
0x29: {  	s30 =	sand.u32 $0xF80, s6;
	s4 =	simm.s32 @!p1 $0x0;
	s1 =	sadd.s32 s3, s1  }
0x2a: {  	_ =	swait.ge [sflag:s8], $0x200;
	s3 =	simm.s32 $0x1;
	s1 =	sshll.u32 s1, $0x18  }
0x2b: {  	[sflag:s8] =	ssyncset.done $0x0;
	s3 =	simm.s32 @!p2 $0x0;
	s1 =	sshra.s32 s1, $0x19  }
0x2c: {  	[sflag:s8] =	ssyncadd.s32 $0xFFFFFE00;
	s3 =	ssub.s32 s1, s3;
	s1 =	ssub.s32 s1, s4  }
0x2d: {  	s17 =	sshll.u32 s3, $0x8;
	s3 =	sshll.u32 s3, $0x7;
	s1 =	sshll.u32 s1, $0x9  }
0x2e: {  	s4 =	sand.u32 $0xFFFFF800, s17;
	s3 =	sand.u32 $0x380, s3;
	s1 =	ssub.s32 $0x0, s1  }
0x2f: {  	v1 =	vld [tilespmem:s30+$0x0];
	s29 =	sor.u32 s3, s4;
	s2 =	sadd.s32 s16, s1  }
0x30: {  	s19 =	sand.u32 $0x80, s18;
	v0 =	vld [tilespmem:s29+$0x800];
	s2 =	sand.u32 $0xFFFFFE00, s2  }
0x31: {  	s2 =	sor.u32 s19, s2  }
0x32: {  	v2 =	vld [tilespmem:s2+$0x1000];
	_ =	sdelay $0x2  }
0x33: {  	v0 =	vadd.f32 v0, v1;
	_ =	sdelay $0x1  }
0x34: {  	s20 =	sand.u32 $0x3800, s18;
	s21 =	sand.u32 $0x380, s18;
	v0 =	vadd.f32 v2, v0  }
0x35: {  	s28 =	sor.u32 s21, s20  }
0x36: {  	[tilespmem:s28+$0x1200] =	vst v0  }
0x37: {  	v0 =	vld [tilespmem:s30+$0x10]  }
0x38: {  	v1 =	vld [tilespmem:s29+$0x810];
	_ =	sdelay $0x1  }
0x39: {  	v2 =	vld [tilespmem:s2+$0x1010];
	_ =	sdelay $0x2  }
0x3a: {  	v0 =	vadd.f32 v1, v0;
	_ =	sdelay $0x1  }
0x3b: {  	v0 =	vadd.f32 v2, v0;
	_ =	sdelay $0x1  }
0x3c: {  	[tilespmem:s28+$0x1210] =	vst v0  }
0x3d: {  	v0 =	vld [tilespmem:s30+$0x20]  }
0x3e: {  	v1 =	vld [tilespmem:s29+$0x820];
	_ =	sdelay $0x1  }
0x3f: {  	v2 =	vld [tilespmem:s2+$0x1020];
	_ =	sdelay $0x2  }
0x40: {  	v0 =	vadd.f32 v1, v0;
	_ =	sdelay $0x1  }
0x41: {  	v0 =	vadd.f32 v2, v0;
	_ =	sdelay $0x1  }
0x42: {  	[tilespmem:s28+$0x1220] =	vst v0  }
0x43: {  	v0 =	vld [tilespmem:s30+$0x30]  }
0x44: {  	v1 =	vld [tilespmem:s29+$0x830];
	_ =	sdelay $0x1  }
0x45: {  	v2 =	vld [tilespmem:s2+$0x1030];
	_ =	sdelay $0x2  }
0x46: {  	v0 =	vadd.f32 v1, v0;
	_ =	sdelay $0x1  }
0x47: {  	v0 =	vadd.f32 v2, v0;
	_ =	sdelay $0x1  }
0x48: {  	[tilespmem:s28+$0x1230] =	vst v0  }
0x49: {  	v0 =	vld [tilespmem:s30+$0x40]  }
0x4a: {  	v1 =	vld [tilespmem:s29+$0x840];
	_ =	sdelay $0x1  }
0x4b: {  	v2 =	vld [tilespmem:s2+$0x1040];
	_ =	sdelay $0x2  }
0x4c: {  	v0 =	vadd.f32 v1, v0;
	_ =	sdelay $0x1  }
0x4d: {  	v0 =	vadd.f32 v2, v0;
	_ =	sdelay $0x1  }
0x4e: {  	[tilespmem:s28+$0x1240] =	vst v0  }
0x4f: {  	v0 =	vld [tilespmem:s30+$0x50]  }
0x50: {  	v1 =	vld [tilespmem:s29+$0x850];
	_ =	sdelay $0x1  }
0x51: {  	v2 =	vld [tilespmem:s2+$0x1050];
	_ =	sdelay $0x2  }
0x52: {  	v0 =	vadd.f32 v1, v0;
	_ =	sdelay $0x1  }
0x53: {  	v0 =	vadd.f32 v2, v0;
	_ =	sdelay $0x1  }
0x54: {  	[tilespmem:s28+$0x1250] =	vst v0  }
0x55: {  	v0 =	vld [tilespmem:s30+$0x60]  }
0x56: {  	v1 =	vld [tilespmem:s29+$0x860];
	_ =	sdelay $0x1  }
0x57: {  	v2 =	vld [tilespmem:s2+$0x1060];
	_ =	sdelay $0x2  }
0x58: {  	v0 =	vadd.f32 v1, v0;
	_ =	sdelay $0x1  }
0x59: {  	v0 =	vadd.f32 v2, v0;
	_ =	sdelay $0x1  }
0x5a: {  	[tilespmem:s28+$0x1260] =	vst v0  }
0x5b: {  	v0 =	vld [tilespmem:s30+$0x70]  }
0x5c: {  	v1 =	vld [tilespmem:s29+$0x870];
	_ =	sdelay $0x1  }
0x5d: {  	v2 =	vld [tilespmem:s2+$0x1070];
	_ =	sdelay $0x2  }
0x5e: {  	v0 =	vadd.f32 v1, v0;
	_ =	sdelay $0x1  }
0x5f: {  	s2 =	simm.s32 $0x1;
	v0 =	vadd.f32 v2, v0  }
0x60: {  	s0 =	smul.u32 $0xC00, s0;
	s2 =	simm.s32 @!p0 $0x0  }
0x61: {  	s2 =	sshll.u32 s2, $0x7;
	[tilespmem:s28+$0x1270] =	vst v0  }
0x62: {  	s0 =	ssub.s32 s2, s0;
	v0 =	vld [tilespmem:s30+$0x400]  }
0x63: {  	s1 =	sadd.s32 s0, s1;
	v1 =	vld [tilespmem:s29+$0xC00]  }
0x64: {  	s0 =	sor.u32 $0x100, s1  }
0x65: {  	v2 =	vld [tilespmem:s0+$0x1000];
	_ =	sdelay $0x2  }
0x66: {  	v0 =	vadd.f32 v1, v0;
	_ =	sdelay $0x1  }
0x67: {  	v0 =	vadd.f32 v2, v0;
	_ =	sdelay $0x1  }
0x68: {  	[tilespmem:s28+$0x1600] =	vst v0  }
0x69: {  	v0 =	vld [tilespmem:s30+$0x410]  }
0x6a: {  	v1 =	vld [tilespmem:s29+$0xC10]  }
0x6b: {  	s22 =	sor.u32 $0x110, s1  }
0x6c: {  	v2 =	vld [tilespmem:s22+$0x1000];
	_ =	sdelay $0x2  }
0x6d: {  	v0 =	vadd.f32 v1, v0;
	_ =	sdelay $0x1  }
0x6e: {  	v0 =	vadd.f32 v2, v0;
	_ =	sdelay $0x1  }
0x6f: {  	[tilespmem:s28+$0x1610] =	vst v0  }
0x70: {  	v0 =	vld [tilespmem:s30+$0x420]  }
0x71: {  	v1 =	vld [tilespmem:s29+$0xC20]  }
0x72: {  	s23 =	sor.u32 $0x120, s1  }
0x73: {  	v2 =	vld [tilespmem:s23+$0x1000];
	_ =	sdelay $0x2  }
0x74: {  	v0 =	vadd.f32 v1, v0;
	_ =	sdelay $0x1  }
0x75: {  	v0 =	vadd.f32 v2, v0;
	_ =	sdelay $0x1  }
0x76: {  	[tilespmem:s28+$0x1620] =	vst v0  }
0x77: {  	v0 =	vld [tilespmem:s30+$0x430]  }
0x78: {  	v1 =	vld [tilespmem:s29+$0xC30]  }
0x79: {  	s24 =	sor.u32 $0x130, s1  }
0x7a: {  	v2 =	vld [tilespmem:s24+$0x1000];
	_ =	sdelay $0x2  }
0x7b: {  	v0 =	vadd.f32 v1, v0;
	_ =	sdelay $0x1  }
0x7c: {  	v0 =	vadd.f32 v2, v0;
	_ =	sdelay $0x1  }
0x7d: {  	[tilespmem:s28+$0x1630] =	vst v0  }
0x7e: {  	v0 =	vld [tilespmem:s30+$0x440]  }
0x7f: {  	v1 =	vld [tilespmem:s29+$0xC40]  }
0x80: {  	s25 =	sor.u32 $0x140, s1  }
0x81: {  	v2 =	vld [tilespmem:s25+$0x1000];
	_ =	sdelay $0x2  }
0x82: {  	v0 =	vadd.f32 v1, v0;
	_ =	sdelay $0x1  }
0x83: {  	v0 =	vadd.f32 v2, v0;
	_ =	sdelay $0x1  }
0x84: {  	[tilespmem:s28+$0x1640] =	vst v0  }
0x85: {  	v0 =	vld [tilespmem:s30+$0x450]  }
0x86: {  	v1 =	vld [tilespmem:s29+$0xC50]  }
0x87: {  	s26 =	sor.u32 $0x150, s1  }
0x88: {  	v2 =	vld [tilespmem:s26+$0x1000];
	_ =	sdelay $0x2  }
0x89: {  	v0 =	vadd.f32 v1, v0;
	_ =	sdelay $0x1  }
0x8a: {  	v0 =	vadd.f32 v2, v0;
	_ =	sdelay $0x1  }
0x8b: {  	[tilespmem:s28+$0x1650] =	vst v0  }
0x8c: {  	v0 =	vld [tilespmem:s30+$0x460]  }
0x8d: {  	s31 =	sor.u32 $0x160, s1;
	v2 =	vld [tilespmem:s29+$0xC60]  }
0x8e: {  	s3 =	simm.s32 $0x0;
	s2 =	simm.s32 $0x0;
	s0 =	simm.s32 $0x1;
	v1 =	vld [tilespmem:s31+$0x1000]  }
.LBB2_2:
0x8f: {  	_ = 	snop  }
0x90: {  	s2 =	sadd.s32 $0x100, s2  }
0x91: {  	s3 =	sadd.s32 $0x80, s3;
	p0 =	por !p0, !p0;
	s4 =	smov.u32 s0  }
0x92: {  	p1 =	sne.s32 s0, $0x3B;
	s0 =	sadd.s32 $0x1, s0;
	s6 =	smulhi.u32 $0xAAAAAAAB, s4;
	v0 =	vadd.f32 v2, v0  }
0x93: {  	_ = 	snop  }
0x94: {  	s6 =	sshrl.u32 s6, $0x3;
	v0 =	vadd.f32 v1, v0  }
0x95: {  	s8 =	simm.s32 $0x1;
	s7 =	smul.u32 $0xFFFFFFF4, s6  }
0x96: {  	s1 =	sor.u32 $0x170, s1;
	s8 =	simm.s32 @!p0 $0x0;
	s10 =	sand.u32 $0x1, s4;
	[tilespmem:s28+$0x1660] =	vst v0  }
0x97: {  	s8 =	sshll.u32 s8, $0x7;
	s9 =	smul.u32 $0xC00, s6;
	s7 =	sadd.s32 s7, s4;
	v0 =	vld [tilespmem:s30+$0x470]  }
0x98: {  	p3 =	seq.s32 s10, $0x1;
	s6 =	smul.u32 $0xFFFFF400, s6;
	p2 =	slt.s32 s7, $0x1;
	v1 =	vld [tilespmem:s29+$0xC70]  }
0x99: {  	s4 =	smul.u32 $0xAB, s4;
	s11 =	sand.u32 $0x80, s7;
	p3 =	por !p2, !p3;
	v2 =	vld [tilespmem:s1+$0x1000]  }
0x9a: {  	p2 =	por !p2, !p0;
	p3 =	por !p3, !p3;
	s1 =	sshrl.u32 s11, $0x7  }
0x9b: {  	p2 =	por !p2, !p2;
	s1 =	sadd.s32 s1, s7;
	s7 =	ssub.s32 s8, s9  }
0x9c: {  	s8 =	simm.s32 $0x1;
	s9 =	simm.s32 $0x1;
	s1 =	sshll.u32 s1, $0x18  }
0x9d: {  	s8 =	simm.s32 @!p3 $0x0;
	s9 =	simm.s32 @!p2 $0x0;
	s1 =	sshra.s32 s1, $0x19;
	v0 =	vadd.f32 v1, v0  }
0x9e: {  	s4 =	sshrl.u32 s4, $0x4;
	s8 =	ssub.s32 s1, s8;
	s1 =	ssub.s32 s1, s9  }
0x9f: {  	s9 =	sshll.u32 s8, $0x8;
	s8 =	sshll.u32 s8, $0x7;
	s1 =	sshll.u32 s1, $0x9;
	v0 =	vadd.f32 v2, v0  }
0xa0: {  	s9 =	sand.u32 $0xFFFFF800, s9;
	s8 =	sand.u32 $0x380, s8;
	s1 =	ssub.s32 s2, s1  }
0xa1: {  	s30 =	sand.u32 $0xF80, s4;
	s29 =	sor.u32 s8, s9;
	s4 =	sadd.s32 s6, s1;
	[tilespmem:s28+$0x1670] =	vst v0  }
0xa2: {  	s6 =	sand.u32 $0x80, s3;
	s1 =	sadd.s32 s7, s1;
	s4 =	sand.u32 $0xFFFFFE00, s4;
	v0 =	vld [tilespmem:s29+$0x800]  }
0xa3: {  	s4 =	sor.u32 s6, s4;
	v1 =	vld [tilespmem:s30+$0x0]  }
0xa4: {  	v2 =	vld [tilespmem:s4+$0x1000];
	_ =	sdelay $0x3  }
0xa5: {  	v0 =	vadd.f32 v0, v1;
	_ =	sdelay $0x1  }
0xa6: {  	s7 =	sand.u32 $0x380, s3;
	s6 =	sand.u32 $0x3800, s2;
	v0 =	vadd.f32 v2, v0  }
0xa7: {  	s28 =	sor.u32 s7, s6  }
0xa8: {  	[tilespmem:s28+$0x1200] =	vst v0  }
0xa9: {  	v0 =	vld [tilespmem:s30+$0x10]  }
0xaa: {  	v1 =	vld [tilespmem:s29+$0x810];
	_ =	sdelay $0x1  }
0xab: {  	v2 =	vld [tilespmem:s4+$0x1010];
	_ =	sdelay $0x2  }
0xac: {  	v0 =	vadd.f32 v1, v0;
	_ =	sdelay $0x1  }
0xad: {  	v0 =	vadd.f32 v2, v0;
	_ =	sdelay $0x1  }
0xae: {  	[tilespmem:s28+$0x1210] =	vst v0  }
0xaf: {  	v0 =	vld [tilespmem:s30+$0x20]  }
0xb0: {  	v1 =	vld [tilespmem:s29+$0x820];
	_ =	sdelay $0x1  }
0xb1: {  	v2 =	vld [tilespmem:s4+$0x1020];
	_ =	sdelay $0x2  }
0xb2: {  	v0 =	vadd.f32 v1, v0;
	_ =	sdelay $0x1  }
0xb3: {  	v0 =	vadd.f32 v2, v0;
	_ =	sdelay $0x1  }
0xb4: {  	[tilespmem:s28+$0x1220] =	vst v0  }
0xb5: {  	v0 =	vld [tilespmem:s30+$0x30]  }
0xb6: {  	v1 =	vld [tilespmem:s29+$0x830];
	_ =	sdelay $0x1  }
0xb7: {  	v2 =	vld [tilespmem:s4+$0x1030];
	_ =	sdelay $0x2  }
0xb8: {  	v0 =	vadd.f32 v1, v0;
	_ =	sdelay $0x1  }
0xb9: {  	v0 =	vadd.f32 v2, v0;
	_ =	sdelay $0x1  }
0xba: {  	[tilespmem:s28+$0x1230] =	vst v0  }
0xbb: {  	v0 =	vld [tilespmem:s30+$0x40]  }
0xbc: {  	v1 =	vld [tilespmem:s29+$0x840];
	_ =	sdelay $0x1  }
0xbd: {  	v2 =	vld [tilespmem:s4+$0x1040];
	_ =	sdelay $0x2  }
0xbe: {  	v0 =	vadd.f32 v1, v0;
	_ =	sdelay $0x1  }
0xbf: {  	v0 =	vadd.f32 v2, v0;
	_ =	sdelay $0x1  }
0xc0: {  	[tilespmem:s28+$0x1240] =	vst v0  }
0xc1: {  	v0 =	vld [tilespmem:s30+$0x50]  }
0xc2: {  	v1 =	vld [tilespmem:s29+$0x850];
	_ =	sdelay $0x1  }
0xc3: {  	v2 =	vld [tilespmem:s4+$0x1050];
	_ =	sdelay $0x2  }
0xc4: {  	v0 =	vadd.f32 v1, v0;
	_ =	sdelay $0x1  }
0xc5: {  	v0 =	vadd.f32 v2, v0;
	_ =	sdelay $0x1  }
0xc6: {  	[tilespmem:s28+$0x1250] =	vst v0  }
0xc7: {  	v0 =	vld [tilespmem:s30+$0x60]  }
0xc8: {  	v1 =	vld [tilespmem:s29+$0x860]  }
0xc9: {  	v2 =	vld [tilespmem:s4+$0x1060];
	_ =	sdelay $0x3  }
0xca: {  	v0 =	vadd.f32 v1, v0;
	_ =	sdelay $0x1  }
0xcb: {  	v0 =	vadd.f32 v2, v0;
	_ =	sdelay $0x1  }
0xcc: {  	[tilespmem:s28+$0x1260] =	vst v0  }
0xcd: {  	v0 =	vld [tilespmem:s30+$0x70]  }
0xce: {  	v1 =	vld [tilespmem:s29+$0x870]  }
0xcf: {  	v2 =	vld [tilespmem:s4+$0x1070];
	_ =	sdelay $0x3  }
0xd0: {  	v0 =	vadd.f32 v1, v0;
	_ =	sdelay $0x1  }
0xd1: {  	v0 =	vadd.f32 v2, v0;
	_ =	sdelay $0x1  }
0xd2: {  	[tilespmem:s28+$0x1270] =	vst v0  }
0xd3: {  	v0 =	vld [tilespmem:s30+$0x400]  }
0xd4: {  	v1 =	vld [tilespmem:s29+$0xC00]  }
0xd5: {  	s4 =	sor.u32 $0x100, s1  }
0xd6: {  	v2 =	vld [tilespmem:s4+$0x1000];
	_ =	sdelay $0x2  }
0xd7: {  	v0 =	vadd.f32 v1, v0;
	_ =	sdelay $0x1  }
0xd8: {  	v0 =	vadd.f32 v2, v0;
	_ =	sdelay $0x1  }
0xd9: {  	[tilespmem:s28+$0x1600] =	vst v0  }
0xda: {  	v0 =	vld [tilespmem:s30+$0x410]  }
0xdb: {  	s4 =	sor.u32 $0x110, s1;
	v1 =	vld [tilespmem:s29+$0xC10]  }
0xdc: {  	v2 =	vld [tilespmem:s4+$0x1000];
	_ =	sdelay $0x3  }
0xdd: {  	v0 =	vadd.f32 v1, v0;
	_ =	sdelay $0x1  }
0xde: {  	v0 =	vadd.f32 v2, v0;
	_ =	sdelay $0x1  }
0xdf: {  	[tilespmem:s28+$0x1610] =	vst v0  }
0xe0: {  	v0 =	vld [tilespmem:s30+$0x420]  }
0xe1: {  	s4 =	sor.u32 $0x120, s1;
	v1 =	vld [tilespmem:s29+$0xC20]  }
0xe2: {  	v2 =	vld [tilespmem:s4+$0x1000];
	_ =	sdelay $0x3  }
0xe3: {  	v0 =	vadd.f32 v1, v0;
	_ =	sdelay $0x1  }
0xe4: {  	v0 =	vadd.f32 v2, v0;
	_ =	sdelay $0x1  }
0xe5: {  	[tilespmem:s28+$0x1620] =	vst v0  }
0xe6: {  	v0 =	vld [tilespmem:s30+$0x430]  }
0xe7: {  	s4 =	sor.u32 $0x130, s1;
	v1 =	vld [tilespmem:s29+$0xC30]  }
0xe8: {  	v2 =	vld [tilespmem:s4+$0x1000];
	_ =	sdelay $0x3  }
0xe9: {  	v0 =	vadd.f32 v1, v0;
	_ =	sdelay $0x1  }
0xea: {  	v0 =	vadd.f32 v2, v0;
	_ =	sdelay $0x1  }
0xeb: {  	[tilespmem:s28+$0x1630] =	vst v0  }
0xec: {  	v0 =	vld [tilespmem:s30+$0x440]  }
0xed: {  	s4 =	sor.u32 $0x140, s1;
	v1 =	vld [tilespmem:s29+$0xC40]  }
0xee: {  	v2 =	vld [tilespmem:s4+$0x1000];
	_ =	sdelay $0x3  }
0xef: {  	v0 =	vadd.f32 v1, v0;
	_ =	sdelay $0x1  }
0xf0: {  	v0 =	vadd.f32 v2, v0;
	_ =	sdelay $0x1  }
0xf1: {  	[tilespmem:s28+$0x1640] =	vst v0  }
0xf2: {  	v0 =	vld [tilespmem:s30+$0x450]  }
0xf3: {  	s4 =	sor.u32 $0x150, s1;
	v1 =	vld [tilespmem:s29+$0xC50]  }
0xf4: {  	v2 =	vld [tilespmem:s4+$0x1000];
	_ =	sdelay $0x3  }
0xf5: {  	v0 =	vadd.f32 v1, v0;
	_ =	sdelay $0x1  }
0xf6: {  	v0 =	vadd.f32 v2, v0  }
.Ltmp0:
0xf7: {  	(pc) =	sbr.rel @p1 .LBB2_2-.Ltmp0, $4  }
0xf8: {  	[tilespmem:s28+$0x1650] =	vst v0  }
0xf9: {  	v0 =	vld [tilespmem:s30+$0x460]  }
0xfa: {  	s4 =	sor.u32 $0x160, s1;
	v2 =	vld [tilespmem:s29+$0xC60]  }
0xfb: {  	v1 =	vld [tilespmem:s4+$0x1000]  }
0xfc: {  	_ =	sdelay $0x2  }
0xfd: {  	v0 =	vadd.f32 v2, v0;
	_ =	sdelay $0x1  }
0xfe: {  	v0 =	vadd.f32 v1, v0;
	_ =	sdelay $0x1  }
0xff: {  	[tilespmem:s28+$0x1660] =	vst v0  }
0x100: {  	v0 =	vld [tilespmem:s30+$0x470]  }
0x101: {  	v1 =	vld [tilespmem:s29+$0xC70]  }
0x102: {  	s0 =	sor.u32 $0x170, s1  }
0x103: {  	v2 =	vld [tilespmem:s0+$0x1000];
	_ =	sdelay $0x2  }
0x104: {  	v0 =	vadd.f32 v1, v0;
	_ =	sdelay $0x1  }
0x105: {  	v0 =	vadd.f32 v2, v0;
	_ =	sdelay $0x1  }
0x106: {  	s31 =	simm.s32 $0x1;
	[tilespmem:s28+$0x1670] =	vst v0  }
0x107: {  	_ =	swait.ge [sflag:s31], $0x1388  }
0x108: {  	[sflag:s31] =	ssyncset.done $0x0  }
0x109: {  	[sflag:s31] =	ssyncadd.s32 $0xFFFFEC78  }
0x10a: {  	_ =	swait.ge [sflag:s31], $0x1388  }
0x10b: {  	[sflag:s31] =	ssyncset.done $0x0  }
0x10c: {  	[sflag:s31] =	ssyncadd.s32 $0xFFFFEC78  }
0x10d: {  	_ =	swait.ge [sflag:s31], $0x1388  }
0x10e: {  	[sflag:s31] =	ssyncset.done $0x0  }
0x10f: {  	s0 =	simm.s32 $0x0;
	[sflag:s31] =	ssyncadd.s32 $0xFFFFEC78  }
0x110: {  	v0 =	vld [tilespmem:s0+$0x5200]  }
0x111: {  	v1 =	vld [tilespmem:s0+$0x6600];
	_ =	sdelay $0x1  }
0x112: {  	v2 =	vld [tilespmem:s0+$0x7A00];
	_ =	sdelay $0x1  }
0x113: {  	v0 =	vmul.u32 $0xC, v0  }
0x114: {  	s1 =	simm.s32 $0x10;
	v1 =	vshll.u32 v1, $0x1  }
0x115: {  	v1 =	vadd.s32 v0, v1;
	v0 =	vld [tilespmem:s1+$0x5200]  }
0x116: {  	v3 =	vadd.s32 v2, v1;
	v2 =	vld [tilespmem:s1+$0x6600];
	_ =	sdelay $0x1  }
0x117: {  	v1 =	vld [tilespmem:s1+$0x7A00];
	vm0 =	vgt.s32 v3, $0x0  }
0x118: {  	s2 =	simm.s32 $0x80;
	v3 =	vnsel vm0, $0x0, v3  }
.LBB2_4:
0x119: {  	s3 =	sshra.s32 s2, $0x2;
	p0 =	sne.s32 s2, $0x4E00;
	s2 =	sadd.s32 $0x40, s2;
	v4 =	vmul.u32 $0xC, v0;
	v3 =	vmin.u32 v3, $0x3B  }
.Ltmp1:
0x11a: {  	v0 =	vld [tilespmem:s3+$0x5200];
	v5 =	vshll.u32 v2, $0x1;
	[tilespmem:s0+$0x8E00] =	vst v3;
	s0 =	smov.u32 s1;
	s1 =	smov.u32 s3;
	(pc) =	sbr.rel @p0 .LBB2_4-.Ltmp1, $4  }
0x11b: {  	v2 =	vld [tilespmem:s1+$0x6600];
	v3 =	vadd.s32 v4, v5  }
0x11c: {  	v3 =	vadd.s32 v1, v3  }
0x11d: {  	v1 =	vld [tilespmem:s1+$0x7A00];
	vm0 =	vgt.s32 v3, $0x0  }
0x11e: {  	v3 =	vnsel vm0, $0x0, v3  }
0x11f: {  	v0 =	vmul.u32 $0xC, v0  }
0x120: {  	v2 =	vshll.u32 v2, $0x1  }
0x121: {  	v0 =	vadd.s32 v0, v2  }
0x122: {  	v0 =	vadd.s32 v1, v0  }
0x123: {  	vm0 =	vgt.s32 v0, $0x0  }
0x124: {  	v1 =	vmin.u32 v3, $0x3B;
	v0 =	vnsel vm0, $0x0, v0  }
0x125: {  	[tilespmem:s0+$0x8E00] =	vst v1;
	v0 =	vmin.u32 v0, $0x3B  }
0x126: {  	s24 =	simm.s32 $0x8E00;
	[tilespmem:s1+$0x8E00] =	vst v0  }
0x127: {  	v0 =	vld [tilespmem:s24+$0x0];
	_ =	sdelay $0x4  }
0x128: {  	(v2sf) =	vpush v0, $0x1  }
0x129: {  	(v2sf) =	vpush v0, $0x0;
	_ =	sdelay $0x2  }
0x12a: {  	(v2sf) =	vpush v0, $0x2;
	_ =	sdelay $0x2  }
0x12b: {  	s25 =	rddreg [dreg:$0x8]  }
0x12c: {  	s28 =	sadd.s32 $0x0, s25  }
0x12d: {  	s29 =	simm.s32 $0x200;
	s30 =	simm.s32 $0x8E10;
	s8 =	sadd.s32 $0xB0, s28  }
0x12e: {  	s19 =	sadd.s32 $0x60, s28;
	s12 =	sadd.s32 $0xA0, s28;
	s11 =	sadd.s32 $0x30, s28  }
0x12f: {  	s4 =	sadd.s32 $0x180, s28;
	s31 =	sadd.s32 $0x70, s28;
	s23 =	sadd.s32 $0xF0, s28;
	(v2sf) =	vpush v0, $0x7  }
0x130: {  	s9 =	sadd.s32 $0x50, s28;
	s7 =	sadd.s32 $0xD0, s28;
	s20 =	sadd.s32 $0x1A0, s28;
	(v2sf) =	vpush v0, $0x3  }
0x131: {  	s6 =	sadd.s32 $0x20, s28;
	s10 =	sadd.s32 $0xC0, s28;
	s13 =	sadd.s32 $0x90, s28  }
0x132: {  	s5 =	sadd.s32 $0x150, s28;
	s22 =	sadd.s32 $0x1B0, s28;
	s3 =	sadd.s32 $0x140, s28  }
0x133: {  	s14 =	sadd.s32 $0x80, s28;
	s15 =	sadd.s32 $0x10, s28;
	s2 =	spop (v2sf)  }
0x134: {  	s1 =	sadd.s32 $0xE0, s28;
	s16 =	spop (v2sf);
	s17 =	sshll.u32 s2, $0x8  }
0x135: {  	s2 =	sshll.u32 s2, $0x7;
	s21 =	sshll.u32 s16, $0x8;
	s16 =	sshll.u32 s16, $0x7  }
0x136: {  	(v2sf) =	vpush v0, $0x4;
	s2 =	sand.u32 $0x380, s2;
	s21 =	sand.u32 $0xFFFFF800, s21;
	s16 =	sand.u32 $0x380, s16  }
0x137: {  	s17 =	sand.u32 $0xFFFFF800, s17;
	s26 =	spop (v2sf);
	s16 =	sor.u32 s16, s21  }
0x138: {  	s17 =	sor.u32 s2, s17;
	s0 =	sshll.u32 s26, $0x8;
	s21 =	sadd.s32 $0x1200, s16  }
0x139: {  	[hbm4b:s28+s18] =	stream.linear.scatter [tilespmem:s21], [sflag:$0x2], $0x80, $0x38;
	[tilespmem:$0xA200] =	vst v63  }
0x13a: {  	s2 =	sshll.u32 s26, $0x7;
	s24 =	sadd.s32 $0x1200, s17;
	s16 =	sadd.s32 $0x1600, s16  }
0x13b: {  	(v2sf) =	vpush v0, $0x8;
	[hbm4b:s14+s18] =	stream.linear.scatter [tilespmem:s16], [sflag:$0x2], $0x80, $0x38;
	[tilespmem:$0xA200] =	vst v63  }
0x13c: {  	(v2sf) =	vpush v0, $0x5;
	s25 =	sadd.s32 $0x1600, s17;
	s21 =	sand.u32 $0x380, s2;
	s2 =	sadd.s32 $0x1C0, s28  }
0x13d: {  	[hbm4b:s15+s18] =	stream.linear.scatter [tilespmem:s24], [sflag:$0x2], $0x80, $0x38;
	[tilespmem:$0xA200] =	vst v63  }
0x13e: {  	s16 =	sand.u32 $0xFFFFF800, s0;
	s0 =	sadd.s32 $0x130, s28;
	s15 =	spop (v2sf)  }
0x13f: {  	s14 =	sor.u32 s21, s16;
	[dreg:$0x9] =	wrdreg s0;
	s26 =	spop (v2sf)  }
0x140: {  	(v2sf) =	vpush v0, $0x6;
	[hbm4b:s13+s18] =	stream.linear.scatter [tilespmem:s25], [sflag:$0x2], $0x80, $0x38;
	[tilespmem:$0xA200] =	vst v63  }
0x141: {  	s16 =	sadd.s32 $0x1200, s14;
	s14 =	sadd.s32 $0x1600, s14;
	s0 =	sshll.u32 s26, $0x8  }
0x142: {  	[hbm4b:s6+s18] =	stream.linear.scatter [tilespmem:s16], [sflag:$0x2], $0x80, $0x38;
	[tilespmem:$0xA200] =	vst v63  }
0x143: {  	s13 =	sadd.s32 $0x40, s28;
	s24 =	sand.u32 $0xFFFFF800, s0;
	s16 =	sshll.u32 s26, $0x7  }
0x144: {  	[hbm4b:s12+s18] =	stream.linear.scatter [tilespmem:s14], [sflag:$0x2], $0x80, $0x38;
	[tilespmem:$0xA200] =	vst v63  }
0x145: {  	s6 =	sadd.s32 $0x120, s28;
	s21 =	sand.u32 $0x380, s16;
	s14 =	spop (v2sf)  }
0x146: {  	(v2sf) =	vpush v0, $0x9;
	s25 =	sshll.u32 s14, $0x8;
	s12 =	sshll.u32 s14, $0x7;
	s14 =	sor.u32 s21, s24  }
0x147: {  	s21 =	sshll.u32 s15, $0x8;
	s15 =	sshll.u32 s15, $0x7;
	s26 =	sand.u32 $0xFFFFF800, s25  }
0x148: {  	(v2sf) =	vpush v0, $0xA;
	s12 =	sand.u32 $0x380, s12;
	s0 =	sadd.s32 $0x1200, s14;
	s14 =	sadd.s32 $0x1600, s14  }
0x149: {  	[hbm4b:s11+s18] =	stream.linear.scatter [tilespmem:s0], [sflag:$0x2], $0x80, $0x38;
	[tilespmem:$0xA200] =	vst v63  }
0x14a: {  	s21 =	sand.u32 $0xFFFFF800, s21;
	s11 =	spop (v2sf);
	s12 =	sor.u32 s12, s26  }
0x14b: {  	s17 =	spop (v2sf);
	s16 =	sadd.s32 $0x1200, s12;
	s12 =	sadd.s32 $0x1600, s12  }
0x14c: {  	[hbm4b:s8+s18] =	stream.linear.scatter [tilespmem:s14], [sflag:$0x2], $0x80, $0x38;
	[tilespmem:$0xA200] =	vst v63  }
0x14d: {  	s8 =	sadd.s32 $0x100, s28;
	s26 =	sshll.u32 s17, $0x8;
	s14 =	sshll.u32 s17, $0x7  }
0x14e: {  	[hbm4b:s13+s18] =	stream.linear.scatter [tilespmem:s16], [sflag:$0x2], $0x80, $0x38;
	[tilespmem:$0xA200] =	vst v63  }
0x14f: {  	s0 =	spop (v2sf);
	s14 =	sand.u32 $0x380, s14;
	s16 =	sand.u32 $0xFFFFF800, s26  }
0x150: {  	s17 =	sshll.u32 s11, $0x8;
	s26 =	sshll.u32 s11, $0x7;
	s25 =	sor.u32 s14, s16  }
0x151: {  	s14 =	sshll.u32 s0, $0x8;
	s16 =	sshll.u32 s0, $0x7;
	s26 =	sand.u32 $0x380, s26  }
0x152: {  	[hbm4b:s10+s18] =	stream.linear.scatter [tilespmem:s12], [sflag:$0x2], $0x80, $0x38;
	[tilespmem:$0xA200] =	vst v63  }
0x153: {  	s24 =	sadd.s32 $0x1600, s25;
	s10 =	sand.u32 $0xFFFFF800, s14;
	s13 =	sadd.s32 $0x1200, s25  }
0x154: {  	[hbm4b:s9+s18] =	stream.linear.scatter [tilespmem:s13], [sflag:$0x2], $0x80, $0x38;
	[tilespmem:$0xA200] =	vst v63  }
0x155: {  	s12 =	sand.u32 $0x380, s16;
	s14 =	sand.u32 $0xFFFFF800, s17;
	s0 =	spop (v2sf)  }
0x156: {  	s25 =	sand.u32 $0x380, s15;
	s16 =	sor.u32 s12, s10;
	s15 =	sshll.u32 s0, $0x8  }
0x157: {  	(v2sf) =	vpush v0, $0xB;
	s11 =	sshll.u32 s0, $0x7;
	s17 =	spop (v2sf);
	s9 =	sand.u32 $0xFFFFF800, s15  }
0x158: {  	(v2sf) =	vpush v0, $0xC;
	s11 =	sand.u32 $0x380, s11;
	s12 =	sshll.u32 s17, $0x8;
	s13 =	sshll.u32 s17, $0x7  }
0x159: {  	(v2sf) =	vpush v0, $0xD;
	s17 =	sadd.s32 $0x190, s28;
	s10 =	sor.u32 s11, s9;
	s9 =	sadd.s32 $0x110, s28  }
.LBB2_6:
0x15a: {  	_ = 	snop  }
0x15b: {  	[hbm4b:s7+s18] =	stream.linear.scatter [tilespmem:s24], [sflag:$0x2], $0x80, $0x38;
	[tilespmem:$0xA200] =	vst v63  }
0x15c: {  	s0 =	sadd.s32 $0x1200, s16  }
0x15d: {  	[hbm4b:s19+s18] =	stream.linear.scatter [tilespmem:s0], [sflag:$0x2], $0x80, $0x38;
	[tilespmem:$0xA200] =	vst v63  }
0x15e: {  	s16 =	sadd.s32 $0x1600, s16;
	s19 =	sor.u32 s25, s21  }
0x15f: {  	[hbm4b:s1+s18] =	stream.linear.scatter [tilespmem:s16], [sflag:$0x2], $0x80, $0x38;
	[tilespmem:$0xA200] =	vst v63  }
0x160: {  	s21 =	sadd.s32 $0x1200, s19  }
0x161: {  	[hbm4b:s31+s18] =	stream.linear.scatter [tilespmem:s21], [sflag:$0x2], $0x80, $0x38;
	[tilespmem:$0xA200] =	vst v63  }
0x162: {  	s11 =	sand.u32 $0xFFFFF800, s12;
	s14 =	sor.u32 s26, s14;
	s25 =	sadd.s32 $0x1600, s19  }
0x163: {  	[hbm4b:s23+s18] =	stream.linear.scatter [tilespmem:s25], [sflag:$0x2], $0x80, $0x38;
	[tilespmem:$0xA200] =	vst v63  }
0x164: {  	s12 =	sand.u32 $0x380, s13;
	s26 =	sadd.s32 $0x1200, s14;
	s14 =	sadd.s32 $0x1600, s14  }
0x165: {  	[hbm4b:s8+s18] =	stream.linear.scatter [tilespmem:s26], [sflag:$0x2], $0x80, $0x38;
	[tilespmem:$0xA200] =	vst v63  }
0x166: {  	s21 =	sadd.s32 $0x1200, s10;
	s26 =	sor.u32 s12, s11;
	s13 =	spop (v2sf)  }
0x167: {  	[hbm4b:s4+s18] =	stream.linear.scatter [tilespmem:s14], [sflag:$0x2], $0x80, $0x38;
	[tilespmem:$0xA200] =	vst v63  }
0x168: {  	s25 =	sadd.s32 $0x1600, s10;
	s11 =	sadd.s32 $0x1600, s26;
	s15 =	sshll.u32 s13, $0x8  }
0x169: {  	(v2sf) =	vpush v0, $0xE;
	s13 =	sshll.u32 s13, $0x7;
	s24 =	spop (v2sf);
	s15 =	sand.u32 $0xFFFFF800, s15  }
0x16a: {  	(v2sf) =	vpush v0, $0xF;
	s13 =	sand.u32 $0x380, s13;
	s0 =	sshll.u32 s24, $0x8;
	s1 =	sshll.u32 s24, $0x7  }
0x16b: {  	[hbm4b:s9+s18] =	stream.linear.scatter [tilespmem:s21], [sflag:$0x2], $0x80, $0x38;
	[tilespmem:$0xA200] =	vst v63  }
0x16c: {  	s24 =	spop (v2sf);
	s13 =	sor.u32 s13, s15;
	s15 =	sand.u32 $0xFFFFF800, s0  }
0x16d: {  	[hbm4b:s17+s18] =	stream.linear.scatter [tilespmem:s25], [sflag:$0x2], $0x80, $0x38;
	[tilespmem:$0xA200] =	vst v63  }
0x16e: {  	s19 =	sand.u32 $0x380, s1;
	s0 =	sshll.u32 s24, $0x8;
	s1 =	sadd.s32 $0x1200, s26  }
0x16f: {  	[hbm4b:s6+s18] =	stream.linear.scatter [tilespmem:s1], [sflag:$0x2], $0x80, $0x38;
	[tilespmem:$0xA200] =	vst v63  }
0x170: {  	s8 =	sshll.u32 s24, $0x7;
	s23 =	sor.u32 s19, s15;
	s10 =	sand.u32 $0xFFFFF800, s0  }
0x171: {  	[hbm4b:s20+s18] =	stream.linear.scatter [tilespmem:s11], [sflag:$0x2], $0x80, $0x38;
	[tilespmem:$0xA200] =	vst v63  }
0x172: {  	s12 =	sand.u32 $0x380, s8;
	s15 =	sadd.s32 $0x1200, s13;
	s0 =	rddreg [dreg:$0x9]  }
0x173: {  	[hbm4b:s0+s18] =	stream.linear.scatter [tilespmem:s15], [sflag:$0x2], $0x80, $0x38;
	[tilespmem:$0xA200] =	vst v63  }
0x174: {  	s19 =	sadd.s32 $0x1600, s13;
	s16 =	sor.u32 s12, s10  }
0x175: {  	[hbm4b:s22+s18] =	stream.linear.scatter [tilespmem:s19], [sflag:$0x2], $0x80, $0x38;
	[tilespmem:$0xA200] =	vst v63  }
0x176: {  	s9 =	sadd.s32 $0x160, s28;
	s25 =	sadd.s32 $0x1200, s16;
	s20 =	sadd.s32 $0x1200, s23  }
0x177: {  	[hbm4b:s3+s18] =	stream.linear.scatter [tilespmem:s20], [sflag:$0x2], $0x80, $0x38;
	[tilespmem:$0xA200] =	vst v63  }
0x178: {  	s7 =	sadd.s32 $0x1600, s16;
	s23 =	sadd.s32 $0x1600, s23;
	s14 =	spop (v2sf)  }
0x179: {  	s17 =	sshll.u32 s14, $0x8;
	s8 =	sshll.u32 s14, $0x7;
	s22 =	spop (v2sf)  }
0x17a: {  	[hbm4b:s2+s18] =	stream.linear.scatter [tilespmem:s23], [sflag:$0x2], $0x80, $0x38;
	[tilespmem:$0xA200] =	vst v63  }
0x17b: {  	s6 =	sand.u32 $0xFFFFF800, s17;
	s21 =	sand.u32 $0x380, s8;
	s24 =	sshll.u32 s22, $0x8  }
0x17c: {  	[hbm4b:s5+s18] =	stream.linear.scatter [tilespmem:s25], [sflag:$0x2], $0x80, $0x38;
	[tilespmem:$0xA200] =	vst v63  }
0x17d: {  	s8 =	sadd.s32 $0x1D0, s28;
	s1 =	sor.u32 s21, s6;
	s6 =	sshll.u32 s22, $0x7  }
0x17e: {  	[hbm4b:s8+s18] =	stream.linear.scatter [tilespmem:s7], [sflag:$0x2], $0x80, $0x38;
	[tilespmem:$0xA200] =	vst v63  }
0x17f: {  	s26 =	sand.u32 $0xFFFFF800, s24;
	s3 =	sand.u32 $0x380, s6;
	s10 =	sadd.s32 $0x1200, s1  }
0x180: {  	[hbm4b:s9+s18] =	stream.linear.scatter [tilespmem:s10], [sflag:$0x2], $0x80, $0x38;
	[tilespmem:$0xA200] =	vst v63  }
0x181: {  	s12 =	sadd.s32 $0x1E0, s28;
	s1 =	sadd.s32 $0x1600, s1;
	s2 =	sor.u32 s3, s26  }
0x182: {  	[hbm4b:s12+s18] =	stream.linear.scatter [tilespmem:s1], [sflag:$0x2], $0x80, $0x38;
	[tilespmem:$0xA200] =	vst v63  }
0x183: {  	s13 =	sadd.s32 $0x170, s28;
	s14 =	sadd.s32 $0x1200, s2  }
0x184: {  	[hbm4b:s13+s18] =	stream.linear.scatter [tilespmem:s14], [sflag:$0x2], $0x80, $0x38;
	[tilespmem:$0xA200] =	vst v63  }
0x185: {  	s16 =	sadd.s32 $0x1F0, s28;
	s15 =	sadd.s32 $0x1600, s2  }
0x186: {  	[hbm4b:s16+s18] =	stream.linear.scatter [tilespmem:s15], [sflag:$0x2], $0x80, $0x38;
	[tilespmem:$0xA200] =	vst v63  }
0x187: {  	v0 =	vld [tilespmem:s30+$0x0];
	_ =	sdelay $0x2  }
0x188: {  	s11 =	rddreg [dreg:$0x8]  }
0x189: {  	s28 =	sadd.s32 s29, s11  }
0x18a: {  	s0 =	sadd.s32 $0xB0, s28;
	(v2sf) =	vpush v0, $0x1  }
0x18b: {  	s17 =	sadd.s32 $0x60, s28;
	[dreg:$0xc] =	wrdreg s0;
	(v2sf) =	vpush v0, $0x0  }
0x18c: {  	s19 =	sadd.s32 $0xA0, s28;
	[dreg:$0x15] =	wrdreg s17  }
0x18d: {  	s20 =	sadd.s32 $0x30, s28;
	[dreg:$0x10] =	wrdreg s19;
	(v2sf) =	vpush v0, $0x2  }
0x18e: {  	p0 =	sne.s32 s29, $0x26E00;
	s21 =	sadd.s32 $0x180, s28;
	[dreg:$0xe] =	wrdreg s20;
	(v2sf) =	vpush v0, $0x7  }
0x18f: {  	s29 =	sadd.s32 $0x200, s29;
	s22 =	sadd.s32 $0x50, s28;
	[dreg:$0xb] =	wrdreg s21  }
0x190: {  	s11 =	sadd.s32 $0x70, s28;
	s23 =	sadd.s32 $0xD0, s28;
	[dreg:$0xd] =	wrdreg s22;
	(v2sf) =	vpush v0, $0x3  }
0x191: {  	s24 =	sadd.s32 $0xC0, s28;
	s25 =	sadd.s32 $0x140, s28;
	[dreg:$0x11] =	wrdreg s23  }
0x192: {  	s31 =	sadd.s32 $0x80, s28;
	[dreg:$0xf] =	wrdreg s24;
	s21 =	sadd.s32 $0x90, s28;
	(v2sf) =	vpush v0, $0x4  }
0x193: {  	[dreg:$0x13] =	wrdreg s25;
	s17 =	sadd.s32 $0x190, s28;
	s26 =	sadd.s32 $0x1C0, s28  }
0x194: {  	s24 =	sadd.s32 $0x10, s28;
	[dreg:$0x12] =	wrdreg s26;
	s2 =	sadd.s32 $0x130, s28  }
0x195: {  	s8 =	sadd.s32 $0x100, s28;
	s10 =	sadd.s32 $0x150, s28;
	[dreg:$0x9] =	wrdreg s2  }
0x196: {  	s9 =	sadd.s32 $0x110, s28;
	s12 =	sadd.s32 $0x1A0, s28;
	s1 =	sadd.s32 $0x40, s28;
	(v2sf) =	vpush v0, $0x8  }
0x197: {  	[dreg:$0x14] =	wrdreg s1;
	s14 =	sadd.s32 $0xF0, s28;
	s13 =	sadd.s32 $0x1B0, s28;
	(v2sf) =	vpush v0, $0x5  }
0x198: {  	s18 =	sadd.s32 $0xE0, s28;
	s16 =	sadd.s32 $0x20, s28;
	s15 =	sadd.s32 $0x120, s28;
	(v2sf) =	vpush v0, $0x6  }
0x199: {  	[dreg:$0xa] =	wrdreg s18;
	s30 =	sadd.s32 $0x10, s30;
	s3 =	spop (v2sf)  }
0x19a: {  	s4 =	sshll.u32 s3, $0x8;
	s25 =	sshll.u32 s3, $0x7;
	s5 =	spop (v2sf)  }
0x19b: {  	s6 =	sshll.u32 s5, $0x8;
	s3 =	sshll.u32 s5, $0x7;
	s25 =	sand.u32 $0x380, s25  }
0x19c: {  	s26 =	sand.u32 $0xFFFFF800, s4;
	s7 =	spop (v2sf);
	s1 =	sand.u32 $0xFFFFF800, s6  }
0x19d: {  	s3 =	sand.u32 $0x380, s3;
	s19 =	sshll.u32 s7, $0x8;
	s22 =	spop (v2sf)  }
0x19e: {  	s23 =	sshll.u32 s7, $0x7;
	s7 =	simm.s32 $0x0;
	s1 =	sor.u32 s3, s1  }
0x19f: {  	s3 =	sor.u32 s25, s26;
	s25 =	sshll.u32 s22, $0x8;
	s5 =	spop (v2sf)  }
0x1a0: {  	s26 =	sshll.u32 s22, $0x7;
	s0 =	sand.u32 $0xFFFFF800, s19;
	s4 =	sand.u32 $0x380, s23  }
0x1a1: {  	s18 =	sadd.s32 $0x1200, s1;
	s1 =	sadd.s32 $0x1600, s1;
	s20 =	spop (v2sf)  }
0x1a2: {  	s6 =	sshll.u32 s5, $0x8;
	s23 =	sadd.s32 $0x1200, s3;
	s0 =	sor.u32 s4, s0  }
0x1a3: {  	[hbm4b:s28+s7] =	stream.linear.scatter [tilespmem:s18], [sflag:$0x2], $0x80, $0x38;
	[tilespmem:$0xA200] =	vst v63  }
0x1a4: {  	s3 =	sadd.s32 $0x1600, s3;
	s19 =	sshll.u32 s20, $0x8;
	s18 =	sshll.u32 s5, $0x7  }
0x1a5: {  	s22 =	spop (v2sf);
	s2 =	sshll.u32 s20, $0x7;
	s20 =	sand.u32 $0xFFFFF800, s6  }
0x1a6: {  	s18 =	sand.u32 $0x380, s18;
	s5 =	spop (v2sf);
	s19 =	sand.u32 $0xFFFFF800, s19  }
0x1a7: {  	s2 =	sand.u32 $0x380, s2;
	s4 =	sshll.u32 s5, $0x8;
	s6 =	spop (v2sf)  }
0x1a8: {  	[hbm4b:s31+s7] =	stream.linear.scatter [tilespmem:s1], [sflag:$0x2], $0x80, $0x38;
	[tilespmem:$0xA200] =	vst v63  }
0x1a9: {  	s5 =	sshll.u32 s5, $0x7;
	s31 =	smov.u32 s11;
	s1 =	sor.u32 s2, s19  }
0x1aa: {  	s19 =	rddreg [dreg:$0x15];
	s4 =	sand.u32 $0xFFFFF800, s4;
	s11 =	sand.u32 $0x380, s5  }
0x1ab: {  	[hbm4b:s24+s7] =	stream.linear.scatter [tilespmem:s23], [sflag:$0x2], $0x80, $0x38;
	[tilespmem:$0xA200] =	vst v63  }
0x1ac: {  	s5 =	sshll.u32 s6, $0x8;
	s23 =	smov.u32 s14;
	s2 =	sor.u32 s11, s4  }
0x1ad: {  	s11 =	sshll.u32 s6, $0x7;
	s6 =	sor.u32 s18, s20;
	s20 =	smov.u32 s12  }
0x1ae: {  	(v2sf) =	vpush v0, $0x9;
	s4 =	sand.u32 $0xFFFFF800, s5;
	s12 =	sadd.s32 $0x1200, s0;
	s0 =	sadd.s32 $0x1600, s0  }
0x1af: {  	s14 =	sshll.u32 s22, $0x8;
	s5 =	sand.u32 $0x380, s11;
	s11 =	rddreg [dreg:$0xe]  }
0x1b0: {  	[hbm4b:s21+s7] =	stream.linear.scatter [tilespmem:s3], [sflag:$0x2], $0x80, $0x38;
	[tilespmem:$0xA200] =	vst v63  }
0x1b1: {  	s24 =	sadd.s32 $0x1600, s2;
	s18 =	sadd.s32 $0x1200, s6;
	s21 =	rddreg [dreg:$0x10]  }
0x1b2: {  	(v2sf) =	vpush v0, $0xA;
	[hbm4b:s16+s7] =	stream.linear.scatter [tilespmem:s12], [sflag:$0x2], $0x80, $0x38;
	[tilespmem:$0xA200] =	vst v63  }
0x1b3: {  	s14 =	sand.u32 $0xFFFFF800, s14;
	s3 =	rddreg [dreg:$0x13];
	s16 =	sor.u32 s5, s4  }
0x1b4: {  	s5 =	smov.u32 s10;
	s4 =	sshll.u32 s22, $0x7;
	s22 =	smov.u32 s13  }
0x1b5: {  	[hbm4b:s21+s7] =	stream.linear.scatter [tilespmem:s0], [sflag:$0x2], $0x80, $0x38;
	[tilespmem:$0xA200] =	vst v63  }
0x1b6: {  	s12 =	sadd.s32 $0x1600, s6;
	s6 =	smov.u32 s15;
	s15 =	rddreg [dreg:$0xc]  }
0x1b7: {  	[hbm4b:s11+s7] =	stream.linear.scatter [tilespmem:s18], [sflag:$0x2], $0x80, $0x38;
	[tilespmem:$0xA200] =	vst v63  }
0x1b8: {  	s21 =	sand.u32 $0xFFFFF800, s25;
	s7 =	rddreg [dreg:$0x11];
	s18 =	simm.s32 $0x0  }
0x1b9: {  	[hbm4b:s15+s18] =	stream.linear.scatter [tilespmem:s12], [sflag:$0x2], $0x80, $0x38;
	[tilespmem:$0xA200] =	vst v63  }
0x1ba: {  	s25 =	sand.u32 $0x380, s26;
	s26 =	sand.u32 $0x380, s4;
	s12 =	rddreg [dreg:$0x14]  }
0x1bb: {  	s11 =	sadd.s32 $0x1200, s1;
	s1 =	sadd.s32 $0x1600, s1;
	s15 =	rddreg [dreg:$0xf]  }
0x1bc: {  	[hbm4b:s12+s18] =	stream.linear.scatter [tilespmem:s11], [sflag:$0x2], $0x80, $0x38;
	[tilespmem:$0xA200] =	vst v63  }
0x1bd: {  	s10 =	spop (v2sf);
	s11 =	sadd.s32 $0x1200, s2;
	s2 =	rddreg [dreg:$0x12]  }
0x1be: {  	[hbm4b:s15+s18] =	stream.linear.scatter [tilespmem:s1], [sflag:$0x2], $0x80, $0x38;
	[tilespmem:$0xA200] =	vst v63  }
.Ltmp2:
0x1bf: {  	s13 =	sshll.u32 s10, $0x8;
	s0 =	sshll.u32 s10, $0x7;
	(pc) =	sbr.rel @p0 .LBB2_6-.Ltmp2, $4  }
0x1c0: {  	s4 =	sand.u32 $0xFFFFF800, s13;
	s0 =	sand.u32 $0x380, s0;
	s15 =	rddreg [dreg:$0xd]  }
0x1c1: {  	(v2sf) =	vpush v0, $0xB;
	s13 =	spop (v2sf);
	s1 =	rddreg [dreg:$0xa];
	s10 =	sor.u32 s0, s4  }
0x1c2: {  	(v2sf) =	vpush v0, $0xC;
	s4 =	rddreg [dreg:$0xb];
	s12 =	sshll.u32 s13, $0x8;
	s13 =	sshll.u32 s13, $0x7  }
0x1c3: {  	(v2sf) =	vpush v0, $0xD;
	[hbm4b:s15+s18] =	stream.linear.scatter [tilespmem:s11], [sflag:$0x2], $0x80, $0x38;
	[tilespmem:$0xA200] =	vst v63  }
0x1c4: {  	[hbm4b:s7+s18] =	stream.linear.scatter [tilespmem:s24], [sflag:$0x2], $0x80, $0x38;
	[tilespmem:$0xA200] =	vst v63  }
0x1c5: {  	s0 =	sadd.s32 $0x1200, s16  }
0x1c6: {  	[hbm4b:s19+s18] =	stream.linear.scatter [tilespmem:s0], [sflag:$0x2], $0x80, $0x38;
	[tilespmem:$0xA200] =	vst v63  }
0x1c7: {  	s24 =	sor.u32 s25, s21;
	s19 =	sadd.s32 $0x1600, s16  }
0x1c8: {  	[hbm4b:s1+s18] =	stream.linear.scatter [tilespmem:s19], [sflag:$0x2], $0x80, $0x38;
	[tilespmem:$0xA200] =	vst v63  }
0x1c9: {  	s25 =	sadd.s32 $0x1200, s24  }
0x1ca: {  	[hbm4b:s31+s18] =	stream.linear.scatter [tilespmem:s25], [sflag:$0x2], $0x80, $0x38;
	[tilespmem:$0xA200] =	vst v63  }
0x1cb: {  	s29 =	sor.u32 s26, s14;
	s0 =	sadd.s32 $0x1600, s24  }
0x1cc: {  	[hbm4b:s23+s18] =	stream.linear.scatter [tilespmem:s0], [sflag:$0x2], $0x80, $0x38;
	[tilespmem:$0xA200] =	vst v63  }
0x1cd: {  	s30 =	sadd.s32 $0x1200, s29  }
0x1ce: {  	[hbm4b:s8+s18] =	stream.linear.scatter [tilespmem:s30], [sflag:$0x2], $0x80, $0x38;
	[tilespmem:$0xA200] =	vst v63  }
0x1cf: {  	s0 =	sadd.s32 $0x1600, s29  }
0x1d0: {  	[hbm4b:s4+s18] =	stream.linear.scatter [tilespmem:s0], [sflag:$0x2], $0x80, $0x38;
	[tilespmem:$0xA200] =	vst v63  }
0x1d1: {  	s7 =	sand.u32 $0x380, s13;
	s31 =	sadd.s32 $0x1200, s10;
	s4 =	sand.u32 $0xFFFFF800, s12  }
0x1d2: {  	[hbm4b:s9+s18] =	stream.linear.scatter [tilespmem:s31], [sflag:$0x2], $0x80, $0x38;
	[tilespmem:$0xA200] =	vst v63  }
0x1d3: {  	s1 =	sadd.s32 $0x1600, s10;
	s0 =	sor.u32 s7, s4  }
0x1d4: {  	[hbm4b:s17+s18] =	stream.linear.scatter [tilespmem:s1], [sflag:$0x2], $0x80, $0x38;
	[tilespmem:$0xA200] =	vst v63  }
0x1d5: {  	s1 =	sadd.s32 $0x1200, s0  }
0x1d6: {  	[hbm4b:s6+s18] =	stream.linear.scatter [tilespmem:s1], [sflag:$0x2], $0x80, $0x38;
	[tilespmem:$0xA200] =	vst v63  }
0x1d7: {  	s8 =	spop (v2sf);
	s0 =	sadd.s32 $0x1600, s0  }
0x1d8: {  	[hbm4b:s20+s18] =	stream.linear.scatter [tilespmem:s0], [sflag:$0x2], $0x80, $0x38;
	[tilespmem:$0xA200] =	vst v63  }
0x1d9: {  	s9 =	sshll.u32 s8, $0x8;
	s0 =	sshll.u32 s8, $0x7  }
0x1da: {  	s1 =	sand.u32 $0xFFFFF800, s9;
	s0 =	sand.u32 $0x380, s0  }
0x1db: {  	(v2sf) =	vpush v0, $0xE;
	s0 =	sor.u32 s0, s1  }
0x1dc: {  	s10 =	rddreg [dreg:$0x9];
	s11 =	spop (v2sf);
	s1 =	sadd.s32 $0x1200, s0  }
0x1dd: {  	(v2sf) =	vpush v0, $0xF;
	[hbm4b:s10+s18] =	stream.linear.scatter [tilespmem:s1], [sflag:$0x2], $0x80, $0x38;
	[tilespmem:$0xA200] =	vst v63  }
0x1de: {  	s0 =	sadd.s32 $0x1600, s0  }
0x1df: {  	[hbm4b:s22+s18] =	stream.linear.scatter [tilespmem:s0], [sflag:$0x2], $0x80, $0x38;
	[tilespmem:$0xA200] =	vst v63  }
0x1e0: {  	s12 =	sshll.u32 s11, $0x8;
	s0 =	sshll.u32 s11, $0x7  }
0x1e1: {  	s1 =	sand.u32 $0xFFFFF800, s12;
	s0 =	sand.u32 $0x380, s0  }
0x1e2: {  	s0 =	sor.u32 s0, s1  }
0x1e3: {  	s1 =	sadd.s32 $0x1200, s0  }
0x1e4: {  	[hbm4b:s3+s18] =	stream.linear.scatter [tilespmem:s1], [sflag:$0x2], $0x80, $0x38;
	[tilespmem:$0xA200] =	vst v63  }
0x1e5: {  	s13 =	spop (v2sf);
	s0 =	sadd.s32 $0x1600, s0  }
0x1e6: {  	[hbm4b:s2+s18] =	stream.linear.scatter [tilespmem:s0], [sflag:$0x2], $0x80, $0x38;
	[tilespmem:$0xA200] =	vst v63  }
0x1e7: {  	s14 =	sshll.u32 s13, $0x8;
	s0 =	sshll.u32 s13, $0x7  }
0x1e8: {  	s1 =	sand.u32 $0xFFFFF800, s14;
	s0 =	sand.u32 $0x380, s0  }
0x1e9: {  	s19 =	sadd.s32 $0x160, s28;
	s0 =	sor.u32 s0, s1  }
0x1ea: {  	s17 =	sadd.s32 $0x1D0, s28;
	s15 =	spop (v2sf);
	s1 =	sadd.s32 $0x1200, s0  }
0x1eb: {  	[hbm4b:s5+s18] =	stream.linear.scatter [tilespmem:s1], [sflag:$0x2], $0x80, $0x38;
	[tilespmem:$0xA200] =	vst v63  }
0x1ec: {  	s16 =	sshll.u32 s15, $0x8;
	s21 =	spop (v2sf);
	s1 =	sshll.u32 s15, $0x7  }
0x1ed: {  	s2 =	sand.u32 $0xFFFFF800, s16;
	s0 =	sadd.s32 $0x1600, s0;
	s1 =	sand.u32 $0x380, s1  }
0x1ee: {  	[hbm4b:s17+s18] =	stream.linear.scatter [tilespmem:s0], [sflag:$0x2], $0x80, $0x38;
	[tilespmem:$0xA200] =	vst v63  }
0x1ef: {  	s22 =	sshll.u32 s21, $0x8;
	s1 =	sor.u32 s1, s2;
	s0 =	sshll.u32 s21, $0x7  }
0x1f0: {  	s2 =	sand.u32 $0xFFFFF800, s22;
	s20 =	sadd.s32 $0x1200, s1;
	s0 =	sand.u32 $0x380, s0  }
0x1f1: {  	[hbm4b:s19+s18] =	stream.linear.scatter [tilespmem:s20], [sflag:$0x2], $0x80, $0x38;
	[tilespmem:$0xA200] =	vst v63  }
0x1f2: {  	s23 =	sadd.s32 $0x1E0, s28;
	s1 =	sadd.s32 $0x1600, s1;
	s0 =	sor.u32 s0, s2  }
0x1f3: {  	[hbm4b:s23+s18] =	stream.linear.scatter [tilespmem:s1], [sflag:$0x2], $0x80, $0x38;
	[tilespmem:$0xA200] =	vst v63  }
0x1f4: {  	s24 =	sadd.s32 $0x170, s28;
	s25 =	sadd.s32 $0x1200, s0  }
0x1f5: {  	[hbm4b:s24+s18] =	stream.linear.scatter [tilespmem:s25], [sflag:$0x2], $0x80, $0x38;
	[tilespmem:$0xA200] =	vst v63  }
0x1f6: {  	s26 =	sadd.s32 $0x1F0, s28;
	s0 =	sadd.s32 $0x1600, s0  }
0x1f7: {  	[hbm4b:s26+s18] =	stream.linear.scatter [tilespmem:s0], [sflag:$0x2], $0x80, $0x38;
	[tilespmem:$0xA200] =	vst v63  }
0x1f8: {  	v63 =	vld [tilespmem:$0xA180];
	_ =	sdelay $0x4  }
0x1f9: {  	(v2sf) =	vpush v63, $0x0;
	_ =	sdelay $0x5  }
0x1fa: {  	(v2sf) =	vpush v63, $0x1;
	_ =	sdelay $0x8  }
0x1fb: {  	s28 =	spop (v2sf);
	(v2sf) =	vpush v63, $0x2  }
0x1fc: {  	s29 =	sshll.u32 s28, $0x8;
	s0 =	sshll.u32 s28, $0x7  }
0x1fd: {  	s1 =	sand.u32 $0xFFFFF800, s29;
	s0 =	sand.u32 $0x380, s0  }
0x1fe: {  	s0 =	sor.u32 s0, s1  }
0x1ff: {  	s30 =	rddreg [dreg:$0x19];
	s1 =	sadd.s32 $0x1200, s0  }
0x200: {  	[hbm4b:s30+s18] =	stream.linear.scatter [tilespmem:s1], [sflag:$0x2], $0x80, $0x38;
	[tilespmem:$0xA200] =	vst v63  }
0x201: {  	s31 =	sadd.s32 $0x80, s30;
	s2 =	spop (v2sf);
	(v2sf) =	vpush v63, $0x3;
	s0 =	sadd.s32 $0x1600, s0  }
0x202: {  	[hbm4b:s31+s18] =	stream.linear.scatter [tilespmem:s0], [sflag:$0x2], $0x80, $0x38;
	[tilespmem:$0xA200] =	vst v63  }
0x203: {  	s3 =	sshll.u32 s2, $0x8;
	s0 =	sshll.u32 s2, $0x7  }
0x204: {  	s1 =	sand.u32 $0xFFFFF800, s3;
	s0 =	sand.u32 $0x380, s0  }
0x205: {  	s0 =	sor.u32 s0, s1  }
0x206: {  	s4 =	rddreg [dreg:$0x1a];
	s1 =	sadd.s32 $0x1200, s0  }
0x207: {  	[hbm4b:s4+s18] =	stream.linear.scatter [tilespmem:s1], [sflag:$0x2], $0x80, $0x38;
	[tilespmem:$0xA200] =	vst v63  }
0x208: {  	s5 =	sadd.s32 $0x80, s4;
	s0 =	sadd.s32 $0x1600, s0  }
0x209: {  	[hbm4b:s5+s18] =	stream.linear.scatter [tilespmem:s0], [sflag:$0x2], $0x80, $0x38;
	[tilespmem:$0xA200] =	vst v63  }
0x20a: {  	s6 =	spop (v2sf);
	(v2sf) =	vpush v63, $0x4  }
0x20b: {  	s7 =	sshll.u32 s6, $0x8;
	s0 =	sshll.u32 s6, $0x7  }
0x20c: {  	s1 =	sand.u32 $0xFFFFF800, s7;
	s0 =	sand.u32 $0x380, s0  }
0x20d: {  	s0 =	sor.u32 s0, s1  }
0x20e: {  	s8 =	rddreg [dreg:$0x1b];
	s1 =	sadd.s32 $0x1200, s0  }
0x20f: {  	[hbm4b:s8+s18] =	stream.linear.scatter [tilespmem:s1], [sflag:$0x2], $0x80, $0x38;
	[tilespmem:$0xA200] =	vst v63  }
0x210: {  	s9 =	sadd.s32 $0x80, s8;
	s10 =	spop (v2sf);
	(v2sf) =	vpush v63, $0x5;
	s0 =	sadd.s32 $0x1600, s0  }
0x211: {  	[hbm4b:s9+s18] =	stream.linear.scatter [tilespmem:s0], [sflag:$0x2], $0x80, $0x38;
	[tilespmem:$0xA200] =	vst v63  }
0x212: {  	s11 =	sshll.u32 s10, $0x8;
	s0 =	sshll.u32 s10, $0x7  }
0x213: {  	s1 =	sand.u32 $0xFFFFF800, s11;
	s0 =	sand.u32 $0x380, s0  }
0x214: {  	s0 =	sor.u32 s0, s1  }
0x215: {  	s12 =	rddreg [dreg:$0x1c];
	s1 =	sadd.s32 $0x1200, s0  }
0x216: {  	[hbm4b:s12+s18] =	stream.linear.scatter [tilespmem:s1], [sflag:$0x2], $0x80, $0x38;
	[tilespmem:$0xA200] =	vst v63  }
0x217: {  	s13 =	sadd.s32 $0x80, s12;
	s0 =	sadd.s32 $0x1600, s0  }
0x218: {  	[hbm4b:s13+s18] =	stream.linear.scatter [tilespmem:s0], [sflag:$0x2], $0x80, $0x38;
	[tilespmem:$0xA200] =	vst v63  }
0x219: {  	s14 =	spop (v2sf);
	(v2sf) =	vpush v63, $0x6  }
0x21a: {  	s15 =	sshll.u32 s14, $0x8;
	s0 =	sshll.u32 s14, $0x7  }
0x21b: {  	s1 =	sand.u32 $0xFFFFF800, s15;
	s0 =	sand.u32 $0x380, s0  }
0x21c: {  	s0 =	sor.u32 s0, s1  }
0x21d: {  	s16 =	rddreg [dreg:$0x1d];
	s1 =	sadd.s32 $0x1200, s0  }
0x21e: {  	[hbm4b:s16+s18] =	stream.linear.scatter [tilespmem:s1], [sflag:$0x2], $0x80, $0x38;
	[tilespmem:$0xA200] =	vst v63  }
0x21f: {  	s17 =	sadd.s32 $0x80, s16;
	s19 =	spop (v2sf);
	(v2sf) =	vpush v63, $0x7;
	s0 =	sadd.s32 $0x1600, s0  }
0x220: {  	[hbm4b:s17+s18] =	stream.linear.scatter [tilespmem:s0], [sflag:$0x2], $0x80, $0x38;
	[tilespmem:$0xA200] =	vst v63  }
0x221: {  	s20 =	sshll.u32 s19, $0x8;
	s0 =	sshll.u32 s19, $0x7  }
0x222: {  	s1 =	sand.u32 $0xFFFFF800, s20;
	s0 =	sand.u32 $0x380, s0  }
0x223: {  	s0 =	sor.u32 s0, s1  }
0x224: {  	s21 =	rddreg [dreg:$0x1e];
	s1 =	sadd.s32 $0x1200, s0  }
0x225: {  	[hbm4b:s21+s18] =	stream.linear.scatter [tilespmem:s1], [sflag:$0x2], $0x80, $0x38;
	[tilespmem:$0xA200] =	vst v63  }
0x226: {  	s22 =	sadd.s32 $0x80, s21;
	s0 =	sadd.s32 $0x1600, s0  }
0x227: {  	[hbm4b:s22+s18] =	stream.linear.scatter [tilespmem:s0], [sflag:$0x2], $0x80, $0x38;
	[tilespmem:$0xA200] =	vst v63  }
0x228: {  	s23 =	spop (v2sf)  }
0x229: {  	s24 =	sshll.u32 s23, $0x8;
	s0 =	sshll.u32 s23, $0x7  }
0x22a: {  	s1 =	sand.u32 $0xFFFFF800, s24;
	s0 =	sand.u32 $0x380, s0  }
0x22b: {  	s0 =	sor.u32 s0, s1  }
0x22c: {  	s25 =	rddreg [dreg:$0x1f];
	s1 =	sadd.s32 $0x1200, s0  }
0x22d: {  	[hbm4b:s25+s18] =	stream.linear.scatter [tilespmem:s1], [sflag:$0x2], $0x80, $0x38;
	[tilespmem:$0xA200] =	vst v63  }
0x22e: {  	s26 =	sadd.s32 $0x80, s25;
	s28 =	spop (v2sf);
	s0 =	sadd.s32 $0x1600, s0  }
0x22f: {  	[hbm4b:s26+s18] =	stream.linear.scatter [tilespmem:s0], [sflag:$0x2], $0x80, $0x38;
	[tilespmem:$0xA200] =	vst v63  }
0x230: {  	s29 =	sshll.u32 s28, $0x8;
	s0 =	sshll.u32 s28, $0x7  }
0x231: {  	s30 =	sld [smem:$0x7FC];
	s1 =	sand.u32 $0xFFFFF800, s29;
	s0 =	sand.u32 $0x380, s0  }
0x232: {  	s0 =	sor.u32 s0, s1  }
0x233: {  	s1 =	sadd.s32 $0x1200, s0  }
0x234: {  	[hbm4b:s30+s18] =	stream.linear.scatter [tilespmem:s1], [sflag:$0x2], $0x80, $0x38;
	[tilespmem:$0xA200] =	vst v63  }
0x235: {  	s31 =	sadd.s32 $0x80, s30;
	s0 =	sadd.s32 $0x1600, s0;
	s1 =	simm.s32 $0x2  }
0x236: {  	[hbm4b:s31+s18] =	stream.linear.scatter [tilespmem:s0], [sflag:$0x2], $0x80, $0x38;
	[tilespmem:$0xA200] =	vst v63  }
0x237: {  	_ =	swait.ge [sflag:s1], $0x2800  }
0x238: {  	s0 =	simm.s32 $0x7C;
	[sflag:s1] =	ssyncset.done $0x0  }
.LBB2_8:
0x239: {  	p0 =	sne.s32 s0, $0x1;
	s0 =	sadd.s32 $0xFFFFFFFF, s0;
	[sflag:s1] =	ssyncadd.s32 $0xFFFFD800  }
.Ltmp3:
0x23a: {  	(pc) =	sbr.rel @p0 .LBB2_8-.Ltmp3, $3  }
0x23b: {  	_ =	sdelay $0x1  }
0x23c: {  	_ =	swait.ge [sflag:s1], $0x2800  }
0x23d: {  	[sflag:s1] =	ssyncset.done $0x0  }
0x23e: {  	s2 =	sld [smem:$0x7FB]  }
0x23f: {  	s0 =	sld [smem:$0x7FD];
	_ =	sdelay $0x1  }
0x240: {  	s2 =	sadd.s32 $0x1, s2  }
0x241: {  	p0 =	sne.s32 s2, s0  }
.Ltmp4:
0x242: {  	_ = 	snop;
	(pc) =	sbr.rel @p0 .LBB2_1-.Ltmp4, $2  }
0x243: {  	_ =	sdelay $0x2  }
0x244: {  	[sflag:s1] =	ssyncadd.s32 $0xFFFFD800  }
0x245: {  	_ =	sfence.sel $0x180000  }
0x246: {  	[bflag:$0x0] =	sbarrier.arrive $0xFFFF  }
0x247: {  	_ =	strace $0x90000047  }
0x248: {  	s0 =	stileid.u32;
	[bflag:$0x2] =	sbarrier.arrive $0xFFFF  }
0x249: {  	p0 =	sne.s32 s0, $0x0;
	s0 =	rddreg [dreg:$0x7]  }
0x24a: {  	s0 =	sadd.s32 @!p0 $0x100000, s0  }
0x24b: {  	[sflag:s0] =	ssyncadd.tile.s32 @!p0 $0x1;
	_ =	shalt  }
.Lfunc_end2:
_tile_overlayer_lowered:
.L_overlay_start_2:
0x24c: {  	(tag) =	ssettag $0x2  }
0x24d: {  	s0 =	rddreg [dreg:$0x0];
	s2 =	stileid.u32  }
0x24e: {  	s1 =	rddreg [dreg:$0x1];
	p0 =	sne.s32 s2, $0x0  }
0x24f: {  	s3 =	rddreg [dreg:$0x2];
	[bflag:$0x3] =	sbarrier.arrive $0xFFFF;
	s2 =	simm.s32 @!p0 $0x1C03  }
0x250: {  	[timem:s3], [sflag:s2] =	dma.local @!p0 [hbm:s0], s1  }
0x251: {  	s0 =	simm.s32 @!p0 $0x3  }
0x252: {  	_ =	swait.ge @!p0 [sflag:s0], s1  }
0x253: {  	s1 =	ssub.s32 @!p0 $0x0, s1;
	[sflag:s0] =	ssyncset.done @!p0 $0x0  }
0x254: {  	[sflag:s0] =	ssyncadd.s32 @!p0 s1  }
0x255: {  	[bflag:$0x3] =	sbarrier.arrive $0xFFFF  }
0x256: {  	_ =	shalt  }

</sc_bundles>
